<compile_context>
chip_gen: v7x
topology: tpu7x:2x2x1
jax: 0.10.2.dev20260603
libtpu: 0.0.44.dev20260713+nightly
codegen_flags: <defaults>
</compile_context>

<pallas_src>
import functools

import jax
import jax.numpy as jnp
from jax import lax
from jax.experimental import pallas as pl
from jax.experimental.pallas import tpu as pltpu
from jax.experimental.pallas import tpu_sc as plsc

T, H, FF, E, K = 2048, 768, 768, 64, 2
LIMIT, ALPHA, EPS = 7.0, 1.702, 1e-05

TM = 128
NT = T * K // TM + E
P = NT * TM
TOK_TILE = 256
NW = 32
TPW = T // NW


def _norm_route_body(x_ref, s_ref, wg_ref, bg_ref, t_ref,
                     r1_ref, r2_ref, w1_ref, w2_ref, te_ref, vd_ref):
    x = x_ref[...]
    ms = jnp.mean(x * x, axis=-1, keepdims=True)
    t = x * lax.rsqrt(ms + EPS) * s_ref[...]
    t_ref[...] = t
    g = jnp.dot(t, wg_ref[...], preferred_element_type=jnp.float32) + bg_ref[...]
    ei = lax.broadcasted_iota(jnp.int32, (T, E), 1)
    v1 = jnp.max(g, axis=1, keepdims=True)
    a1 = jnp.min(jnp.where(g == v1, ei, E), axis=1, keepdims=True)
    gm = jnp.where(ei == a1, -jnp.inf, g)
    v2 = jnp.max(gm, axis=1, keepdims=True)
    a2 = jnp.min(jnp.where(gm == v2, ei, E), axis=1, keepdims=True)
    w1 = 1.0 / (1.0 + jnp.exp(v2 - v1))
    w1_ref[...] = w1[:, 0]
    w2_ref[...] = 1.0 - w1[:, 0]

    mask = jnp.where(ei == a1, 1.0, 0.0) + jnp.where(ei == a2, 1.0, 0.0)
    c = mask
    s = 1
    while s < T:
        c = c + jnp.concatenate(
            [jnp.zeros((s, E), jnp.float32), c[: T - s, :]], axis=0)
        s *= 2
    pos = c - mask
    counts = c[T - 1 : T, :]
    pci = ((counts.astype(jnp.int32) + TM - 1) // TM) * TM
    pcf = pci.astype(jnp.float32)
    lt = jnp.where(
        lax.broadcasted_iota(jnp.int32, (E, E), 0)
        < lax.broadcasted_iota(jnp.int32, (E, E), 1), 1.0, 0.0)
    off = jnp.dot(pcf, lt, preferred_element_type=jnp.float32)
    r1 = jnp.sum(jnp.where(ei == a1, off + pos, 0.0), axis=1)
    r2 = jnp.sum(jnp.where(ei == a2, off + pos, 0.0), axis=1)
    r1_ref[...] = r1.astype(jnp.int32)
    r2_ref[...] = r2.astype(jnp.int32)

    total = jnp.sum(pcf)
    offi = off.astype(jnp.int32)
    ti = lax.broadcasted_iota(jnp.int32, (NT, E), 0) * TM
    inint = (ti >= offi) & (ti < offi + pci)
    eirow = lax.broadcasted_iota(jnp.int32, (NT, E), 1).astype(jnp.float32)
    te_raw = jnp.sum(jnp.where(inint, eirow, 0.0), axis=1).astype(jnp.int32)
    vd = (lax.iota(jnp.int32, NT).astype(jnp.float32) * TM < total).astype(jnp.int32)
    te_last = jnp.max(jnp.where(vd == 1, te_raw, -1))
    te_ref[...] = jnp.where(vd == 1, te_raw, te_last)
    vd_ref[...] = vd


def _norm_route(x, scale2, Wg, bg2):
    return pl.pallas_call(
        _norm_route_body,
        in_specs=[
            pl.BlockSpec((T, H), lambda: (0, 0)),
            pl.BlockSpec((1, H), lambda: (0, 0)),
            pl.BlockSpec((H, E), lambda: (0, 0)),
            pl.BlockSpec((1, E), lambda: (0, 0)),
        ],
        out_specs=[
            pl.BlockSpec((T, H), lambda: (0, 0)),
            pl.BlockSpec((T,), lambda: (0,)),
            pl.BlockSpec((T,), lambda: (0,)),
            pl.BlockSpec((T,), lambda: (0,)),
            pl.BlockSpec((T,), lambda: (0,)),
            pl.BlockSpec((NT,), lambda: (0,)),
            pl.BlockSpec((NT,), lambda: (0,)),
        ],
        out_shape=[
            jax.ShapeDtypeStruct((T, H), jnp.float32),
            jax.ShapeDtypeStruct((T,), jnp.int32),
            jax.ShapeDtypeStruct((T,), jnp.int32),
            jax.ShapeDtypeStruct((T,), jnp.float32),
            jax.ShapeDtypeStruct((T,), jnp.float32),
            jax.ShapeDtypeStruct((NT,), jnp.int32),
            jax.ShapeDtypeStruct((NT,), jnp.int32),
        ],
    )(x, scale2, Wg, bg2)


def _dispatch_sc(t, r1, r2):
    mesh = plsc.VectorSubcoreMesh(core_axis_name="c", subcore_axis_name="s")

    @functools.partial(
        pl.kernel,
        mesh=mesh,
        out_type=jax.ShapeDtypeStruct((P, H), jnp.float32),
        scratch_types=[
            pltpu.VMEM((TPW, H), jnp.float32),
            pltpu.VMEM((TPW,), jnp.int32),
            pltpu.VMEM((TPW,), jnp.int32),
            pltpu.SemaphoreType.DMA,
        ],
    )
    def k(t_hbm, r1_hbm, r2_hbm, xg_hbm, tv, i1, i2, sem):
        wid = lax.axis_index("s") * 2 + lax.axis_index("c")
        base = wid * TPW
        pltpu.sync_copy(t_hbm.at[pl.ds(base, TPW)], tv)
        pltpu.sync_copy(r1_hbm.at[pl.ds(base, TPW)], i1)
        pltpu.sync_copy(r2_hbm.at[pl.ds(base, TPW)], i2)
        pltpu.async_copy(tv, xg_hbm.at[i1], sem).wait()
        pltpu.async_copy(tv, xg_hbm.at[i2], sem).wait()

    return k(t, r1, r2)


def _mlp_body(te_ref, vd_ref, xg_ref, w1_ref, b1_ref, w2_ref, b2_ref,
              se_ref, o_ref):
    i = pl.program_id(0)

    @pl.when(vd_ref[i] == 1)
    def _():
        a = xg_ref[...]
        h = jnp.dot(a, w1_ref[0], preferred_element_type=jnp.float32) + b1_ref[0]
        hn = pltpu.roll(h, 2 * FF - 1, 1)
        xglu = jnp.minimum(h, LIMIT)
        xlin = jnp.clip(hn, -LIMIT, LIMIT)
        af = xglu * jax.nn.sigmoid(ALPHA * xglu) * (xlin + 1.0)
        act = jnp.dot(af, se_ref[...], preferred_element_type=jnp.float32)
        o_ref[...] = jnp.dot(act, w2_ref[0], preferred_element_type=jnp.float32) + b2_ref[0]


def _mlp(te, vd, xg, W1, b1r, W2, b2r, Se):
    grid_spec = pltpu.PrefetchScalarGridSpec(
        num_scalar_prefetch=2,
        grid=(NT,),
        in_specs=[
            pl.BlockSpec((TM, H), lambda i, te, vd: (i, 0)),
            pl.BlockSpec((1, H, 2 * FF), lambda i, te, vd: (te[i], 0, 0)),
            pl.BlockSpec((1, 1, 2 * FF), lambda i, te, vd: (te[i], 0, 0)),
            pl.BlockSpec((1, FF, H), lambda i, te, vd: (te[i], 0, 0)),
            pl.BlockSpec((1, 1, H), lambda i, te, vd: (te[i], 0, 0)),
            pl.BlockSpec((2 * FF, FF), lambda i, te, vd: (0, 0)),
        ],
        out_specs=pl.BlockSpec((TM, H), lambda i, te, vd: (i, 0)),
    )
    return pl.pallas_call(
        _mlp_body,
        grid_spec=grid_spec,
        out_shape=jax.ShapeDtypeStruct((P, H), jnp.float32),
    )(te, vd, xg, W1, b1r, W2, b2r, Se)


def _gather_sc(o, r1, r2):
    mesh = plsc.VectorSubcoreMesh(core_axis_name="c", subcore_axis_name="s")

    @functools.partial(
        pl.kernel,
        mesh=mesh,
        out_type=(
            jax.ShapeDtypeStruct((T, H), jnp.float32),
            jax.ShapeDtypeStruct((T, H), jnp.float32),
        ),
        scratch_types=[
            pltpu.VMEM((TPW, H), jnp.float32),
            pltpu.VMEM((TPW,), jnp.int32),
            pltpu.VMEM((TPW,), jnp.int32),
            pltpu.SemaphoreType.DMA,
        ],
    )
    def k(o_hbm, r1_hbm, r2_hbm, g1_hbm, g2_hbm, gv, i1, i2, sem):
        wid = lax.axis_index("s") * 2 + lax.axis_index("c")
        base = wid * TPW
        pltpu.sync_copy(r1_hbm.at[pl.ds(base, TPW)], i1)
        pltpu.sync_copy(r2_hbm.at[pl.ds(base, TPW)], i2)
        pltpu.async_copy(o_hbm.at[i1], gv, sem).wait()
        pltpu.sync_copy(gv, g1_hbm.at[pl.ds(base, TPW)])
        pltpu.async_copy(o_hbm.at[i2], gv, sem).wait()
        pltpu.sync_copy(gv, g2_hbm.at[pl.ds(base, TPW)])

    return k(o, r1, r2)


def _combine_body(x_ref, w1_ref, w2_ref, g1_ref, g2_ref, o_ref):
    o_ref[...] = (x_ref[...] + w1_ref[...] * g1_ref[...]
                  + w2_ref[...] * g2_ref[...])


def _combine(x, w1c, w2c, g1, g2):
    return pl.pallas_call(
        _combine_body,
        grid=(T // TOK_TILE,),
        in_specs=[
            pl.BlockSpec((TOK_TILE, H), lambda i: (i, 0)),
            pl.BlockSpec((TOK_TILE, 1), lambda i: (i, 0)),
            pl.BlockSpec((TOK_TILE, 1), lambda i: (i, 0)),
            pl.BlockSpec((TOK_TILE, H), lambda i: (i, 0)),
            pl.BlockSpec((TOK_TILE, H), lambda i: (i, 0)),
        ],
        out_specs=pl.BlockSpec((TOK_TILE, H), lambda i: (i, 0)),
        out_shape=jax.ShapeDtypeStruct((T, H), jnp.float32),
    )(x, w1c, w2c, g1, g2)


def kernel(x, scale, Wg, bg, W1, b1, W2, b2):
    scale2 = scale.reshape(1, H)
    bg2 = bg.reshape(1, E)
    b1r = b1.reshape(E, 1, 2 * FF)
    b2r = b2.reshape(E, 1, H)
    t, r1, r2, w1, w2, te, vd = _norm_route(x, scale2, Wg, bg2)
    ff2 = lax.iota(jnp.int32, 2 * FF).reshape(2 * FF, 1)
    ffc = lax.iota(jnp.int32, FF).reshape(1, FF)
    Se = (ff2 == 2 * ffc).astype(jnp.float32)
    xg = _dispatch_sc(t, r1, r2)
    o = _mlp(te, vd, xg, W1, b1r, W2, b2r, Se)
    g1, g2 = _gather_sc(o, r1, r2)
    return _combine(x, w1.reshape(T, 1), w2.reshape(T, 1), g1, g2)

# --- scband reference (transcript-rebuilt; emitter-appended) ---
"""Pipeline reference for scband-mlpblock-34479997452739 (READ-ONLY COPY).

The authoritative reference and input builder live on the scoring server;
editing this copy changes nothing except your own understanding.
"""

import jax, jax.numpy as jnp
import numpy as np

T, H, FF, E, K = 2048, 768, 768, 64, 2
LIMIT, ALPHA, EPS = 7.0, 1.702, 1e-05


def _rmsnorm(x, scale):
    t = x * jax.lax.rsqrt(jnp.mean(x * x, axis=-1, keepdims=True) + EPS)
    return scale * t


def _swiglu(x):
    x_glu = x[..., ::2]
    x_lin = x[..., 1::2]
    x_glu = jnp.minimum(x_glu, LIMIT)
    x_lin = jnp.clip(x_lin, -LIMIT, LIMIT)
    return x_glu * jax.nn.sigmoid(ALPHA * x_glu) * (x_lin + 1.0)


def setup_inputs(seed: int = 0):
    key = jax.random.key(seed)
    ks = jax.random.split(key, 6)
    x = jax.random.normal(ks[0], (T, H), dtype=jnp.float32)
    scale = jnp.ones((H,), dtype=jnp.float32)
    Wg = jax.random.normal(ks[1], (H, E), dtype=jnp.float32) * 0.02
    bg = jnp.zeros((E,), dtype=jnp.float32)
    W1 = jax.random.normal(ks[2], (E, H, 2 * FF), dtype=jnp.float32) * 0.02
    b1 = jnp.zeros((E, 2 * FF), dtype=jnp.float32)
    W2 = jax.random.normal(ks[3], (E, FF, H), dtype=jnp.float32) * 0.02
    b2 = jnp.zeros((E, H), dtype=jnp.float32)
    return {"x": x, "scale": scale, "Wg": Wg, "bg": bg, "W1": W1, "b1": b1, "W2": W2, "b2": b2}


def reference(x, scale, Wg, bg, W1, b1, W2, b2):
    t = _rmsnorm(x, scale)
    g = t @ Wg + bg
    vals, idx = jax.lax.top_k(g, K)
    w = jax.nn.softmax(vals, axis=-1)
    out = jnp.zeros_like(t)
    for e in range(W1.shape[0]):
        wi = jnp.sum(jnp.where(idx == e, w, jnp.zeros_like(w)), axis=-1)
        h = _swiglu(t @ W1[e] + b1[e])
        o = h @ W2[e] + b2[e]
        out = out + o * wi[:, None]
    return x + out

if __name__ == "__main__":
    import jax
    _d = setup_inputs()
    print(jax.jit(kernel)(*tuple(_d.values())))

</pallas_src>

<mosaic_0001>
#map = affine_map<(d0, d1) -> (0, 0)>
#map1 = affine_map<(d0, d1) -> (0)>
module attributes {stable_mosaic.version = 14 : i64} {
  func.func @k(%arg0: i32, %arg1: i32, %arg2: memref<2048x768xf32, #tpu.memory_space<hbm>>, %arg3: memref<2048xi32, #tpu.memory_space<hbm>>, %arg4: memref<2048xi32, #tpu.memory_space<hbm>>, %arg5: memref<12288x768xf32, #tpu.memory_space<hbm>>, %arg6: memref<64x768xf32, #tpu.memory_space<vmem>>, %arg7: memref<64xi32, #tpu.memory_space<vmem>>, %arg8: memref<64xi32, #tpu.memory_space<vmem>>, %arg9: memref<!tpu.dma_semaphore, #tpu.memory_space<semaphore_mem>>) attributes {dimension_semantics = [#tpu.dimension_semantics<core_parallel>, #tpu.dimension_semantics<subcore_parallel>], iteration_bounds = array<i64: 2, 16>, scalar_prefetch = 0 : i64, scratch_operands = 4 : i64, tpu.core_type = #tpu.core_type<sc_vector_subcore>, window_params = [{transform_indices = #map}, {transform_indices = #map1}, {transform_indices = #map1}, {transform_indices = #map}]} {
    %mul3A = arith.constant 2 : i32
    %mul3A_0 = arith.muli %arg1, %mul3A : i32
    %add3A = arith.addi %mul3A_0, %arg0 : i32
    %mul3A_1 = arith.constant 64 : i32
    %mul3A_2 = arith.muli %add3A, %mul3A_1 : i32
    "tpu.region"() ({
      %run_scoped3A = tpu.sem_alloc : memref<!tpu.dma_semaphore, #tpu.memory_space<semaphore_mem>>
      %dma_start3A_13 = arith.constant 0 : i32
      %dma_start3A_14 = tpu.memref_slice %arg2[%mul3A_2, %dma_start3A_13] : memref<2048x768xf32, #tpu.memory_space<hbm>> -> memref<64x768xf32, #tpu.memory_space<hbm>>
      %dma_start3A_15 = arith.constant 0 : i32
      %dma_start3A_16 = tpu.memref_slice %arg2[%mul3A_2, %dma_start3A_15] : memref<2048x768xf32, #tpu.memory_space<hbm>> -> memref<64x768xf32, #tpu.memory_space<hbm>>
      tpu.enqueue_dma source(%dma_start3A_16 : memref<64x768xf32, #tpu.memory_space<hbm>>) target(%arg6 : memref<64x768xf32, #tpu.memory_space<vmem>>) target_semaphore(%run_scoped3A : memref<!tpu.dma_semaphore, #tpu.memory_space<semaphore_mem>>)
      %dma_wait3A_17 = arith.constant 0 : i32
      %dma_wait3A_18 = tpu.memref_slice %arg2[%mul3A_2, %dma_wait3A_17] : memref<2048x768xf32, #tpu.memory_space<hbm>> -> memref<64x768xf32, #tpu.memory_space<hbm>>
      %dma_wait3A_19 = arith.constant 0 : i32
      %dma_wait3A_20 = tpu.memref_slice %arg2[%mul3A_2, %dma_wait3A_19] : memref<2048x768xf32, #tpu.memory_space<hbm>> -> memref<64x768xf32, #tpu.memory_space<hbm>>
      tpu.wait_dma2 semaphore(%run_scoped3A : memref<!tpu.dma_semaphore, #tpu.memory_space<semaphore_mem>>) src(%dma_wait3A_20 : memref<64x768xf32, #tpu.memory_space<hbm>>) dst(%arg6 : memref<64x768xf32, #tpu.memory_space<vmem>>)
      tpu.yield
    }) : () -> ()
    "tpu.region"() ({
      %run_scoped3A = tpu.sem_alloc : memref<!tpu.dma_semaphore, #tpu.memory_space<semaphore_mem>>
      %dma_start3A_13 = tpu.memref_slice %arg3[%mul3A_2] : memref<2048xi32, #tpu.memory_space<hbm>> -> memref<64xi32, #tpu.memory_space<hbm>>
      %dma_start3A_14 = tpu.memref_slice %arg3[%mul3A_2] : memref<2048xi32, #tpu.memory_space<hbm>> -> memref<64xi32, #tpu.memory_space<hbm>>
      tpu.enqueue_dma source(%dma_start3A_14 : memref<64xi32, #tpu.memory_space<hbm>>) target(%arg7 : memref<64xi32, #tpu.memory_space<vmem>>) target_semaphore(%run_scoped3A : memref<!tpu.dma_semaphore, #tpu.memory_space<semaphore_mem>>)
      %dma_wait3A_15 = tpu.memref_slice %arg3[%mul3A_2] : memref<2048xi32, #tpu.memory_space<hbm>> -> memref<64xi32, #tpu.memory_space<hbm>>
      %dma_wait3A_16 = tpu.memref_slice %arg3[%mul3A_2] : memref<2048xi32, #tpu.memory_space<hbm>> -> memref<64xi32, #tpu.memory_space<hbm>>
      tpu.wait_dma2 semaphore(%run_scoped3A : memref<!tpu.dma_semaphore, #tpu.memory_space<semaphore_mem>>) src(%dma_wait3A_16 : memref<64xi32, #tpu.memory_space<hbm>>) dst(%arg7 : memref<64xi32, #tpu.memory_space<vmem>>)
      tpu.yield
    }) : () -> ()
    "tpu.region"() ({
      %run_scoped3A = tpu.sem_alloc : memref<!tpu.dma_semaphore, #tpu.memory_space<semaphore_mem>>
      %dma_start3A_13 = tpu.memref_slice %arg4[%mul3A_2] : memref<2048xi32, #tpu.memory_space<hbm>> -> memref<64xi32, #tpu.memory_space<hbm>>
      %dma_start3A_14 = tpu.memref_slice %arg4[%mul3A_2] : memref<2048xi32, #tpu.memory_space<hbm>> -> memref<64xi32, #tpu.memory_space<hbm>>
      tpu.enqueue_dma source(%dma_start3A_14 : memref<64xi32, #tpu.memory_space<hbm>>) target(%arg8 : memref<64xi32, #tpu.memory_space<vmem>>) target_semaphore(%run_scoped3A : memref<!tpu.dma_semaphore, #tpu.memory_space<semaphore_mem>>)
      %dma_wait3A_15 = tpu.memref_slice %arg4[%mul3A_2] : memref<2048xi32, #tpu.memory_space<hbm>> -> memref<64xi32, #tpu.memory_space<hbm>>
      %dma_wait3A_16 = tpu.memref_slice %arg4[%mul3A_2] : memref<2048xi32, #tpu.memory_space<hbm>> -> memref<64xi32, #tpu.memory_space<hbm>>
      tpu.wait_dma2 semaphore(%run_scoped3A : memref<!tpu.dma_semaphore, #tpu.memory_space<semaphore_mem>>) src(%dma_wait3A_16 : memref<64xi32, #tpu.memory_space<hbm>>) dst(%arg8 : memref<64xi32, #tpu.memory_space<vmem>>)
      tpu.yield
    }) : () -> ()
    %dma_start3A = arith.constant 0 : i32
    %dma_start3A_3 = arith.constant 0 : i32
    %dma_start3A_4 = tpu.memref_slice %arg5[%dma_start3A, %dma_start3A_3] : memref<12288x768xf32, #tpu.memory_space<hbm>> -> memref<12288x768xf32, #tpu.memory_space<hbm>>
    tpu.enqueue_indirect_dma source(%arg6 : memref<64x768xf32, #tpu.memory_space<vmem>>) target(%dma_start3A_4 : memref<12288x768xf32, #tpu.memory_space<hbm>>) offsets(%arg7 : memref<64xi32, #tpu.memory_space<vmem>>) semaphore(%arg9 : memref<!tpu.dma_semaphore, #tpu.memory_space<semaphore_mem>>)
    %dma_wait3A = arith.constant 0 : i32
    %dma_wait3A_5 = arith.constant 0 : i32
    %dma_wait3A_6 = tpu.memref_slice %arg5[%dma_wait3A, %dma_wait3A_5] : memref<12288x768xf32, #tpu.memory_space<hbm>> -> memref<12288x768xf32, #tpu.memory_space<hbm>>
    tpu.wait_indirect_dma semaphore(%arg9 : memref<!tpu.dma_semaphore, #tpu.memory_space<semaphore_mem>>) src(%arg6 : memref<64x768xf32, #tpu.memory_space<vmem>>) dst(%dma_wait3A_6 : memref<12288x768xf32, #tpu.memory_space<hbm>>)
    %dma_start3A_7 = arith.constant 0 : i32
    %dma_start3A_8 = arith.constant 0 : i32
    %dma_start3A_9 = tpu.memref_slice %arg5[%dma_start3A_7, %dma_start3A_8] : memref<12288x768xf32, #tpu.memory_space<hbm>> -> memref<12288x768xf32, #tpu.memory_space<hbm>>
    tpu.enqueue_indirect_dma source(%arg6 : memref<64x768xf32, #tpu.memory_space<vmem>>) target(%dma_start3A_9 : memref<12288x768xf32, #tpu.memory_space<hbm>>) offsets(%arg8 : memref<64xi32, #tpu.memory_space<vmem>>) semaphore(%arg9 : memref<!tpu.dma_semaphore, #tpu.memory_space<semaphore_mem>>)
    %dma_wait3A_10 = arith.constant 0 : i32
    %dma_wait3A_11 = arith.constant 0 : i32
    %dma_wait3A_12 = tpu.memref_slice %arg5[%dma_wait3A_10, %dma_wait3A_11] : memref<12288x768xf32, #tpu.memory_space<hbm>> -> memref<12288x768xf32, #tpu.memory_space<hbm>>
    tpu.wait_indirect_dma semaphore(%arg9 : memref<!tpu.dma_semaphore, #tpu.memory_space<semaphore_mem>>) src(%arg6 : memref<64x768xf32, #tpu.memory_space<vmem>>) dst(%dma_wait3A_12 : memref<12288x768xf32, #tpu.memory_space<hbm>>)
    return
  }
}

#map = affine_map<(d0, d1) -> (0, 0)>
#map1 = affine_map<(d0, d1) -> (0)>
module attributes {stable_mosaic.version = 14 : i64} {
  func.func @k(%arg0: i32, %arg1: i32, %arg2: memref<12288x768xf32, #tpu.memory_space<hbm>>, %arg3: memref<2048xi32, #tpu.memory_space<hbm>>, %arg4: memref<2048xi32, #tpu.memory_space<hbm>>, %arg5: memref<2048x768xf32, #tpu.memory_space<hbm>>, %arg6: memref<2048x768xf32, #tpu.memory_space<hbm>>, %arg7: memref<64x768xf32, #tpu.memory_space<vmem>>, %arg8: memref<64xi32, #tpu.memory_space<vmem>>, %arg9: memref<64xi32, #tpu.memory_space<vmem>>, %arg10: memref<!tpu.dma_semaphore, #tpu.memory_space<semaphore_mem>>) attributes {dimension_semantics = [#tpu.dimension_semantics<core_parallel>, #tpu.dimension_semantics<subcore_parallel>], iteration_bounds = array<i64: 2, 16>, scalar_prefetch = 0 : i64, scratch_operands = 4 : i64, tpu.core_type = #tpu.core_type<sc_vector_subcore>, window_params = [{transform_indices = #map}, {transform_indices = #map1}, {transform_indices = #map1}, {transform_indices = #map}, {transform_indices = #map}]} {
    %mul3A = arith.constant 2 : i32
    %mul3A_0 = arith.muli %arg1, %mul3A : i32
    %add3A = arith.addi %mul3A_0, %arg0 : i32
    %mul3A_1 = arith.constant 64 : i32
    %mul3A_2 = arith.muli %add3A, %mul3A_1 : i32
    "tpu.region"() ({
      %run_scoped3A = tpu.sem_alloc : memref<!tpu.dma_semaphore, #tpu.memory_space<semaphore_mem>>
      %dma_start3A_13 = tpu.memref_slice %arg3[%mul3A_2] : memref<2048xi32, #tpu.memory_space<hbm>> -> memref<64xi32, #tpu.memory_space<hbm>>
      %dma_start3A_14 = tpu.memref_slice %arg3[%mul3A_2] : memref<2048xi32, #tpu.memory_space<hbm>> -> memref<64xi32, #tpu.memory_space<hbm>>
      tpu.enqueue_dma source(%dma_start3A_14 : memref<64xi32, #tpu.memory_space<hbm>>) target(%arg8 : memref<64xi32, #tpu.memory_space<vmem>>) target_semaphore(%run_scoped3A : memref<!tpu.dma_semaphore, #tpu.memory_space<semaphore_mem>>)
      %dma_wait3A_15 = tpu.memref_slice %arg3[%mul3A_2] : memref<2048xi32, #tpu.memory_space<hbm>> -> memref<64xi32, #tpu.memory_space<hbm>>
      %dma_wait3A_16 = tpu.memref_slice %arg3[%mul3A_2] : memref<2048xi32, #tpu.memory_space<hbm>> -> memref<64xi32, #tpu.memory_space<hbm>>
      tpu.wait_dma2 semaphore(%run_scoped3A : memref<!tpu.dma_semaphore, #tpu.memory_space<semaphore_mem>>) src(%dma_wait3A_16 : memref<64xi32, #tpu.memory_space<hbm>>) dst(%arg8 : memref<64xi32, #tpu.memory_space<vmem>>)
      tpu.yield
    }) : () -> ()
    "tpu.region"() ({
      %run_scoped3A = tpu.sem_alloc : memref<!tpu.dma_semaphore, #tpu.memory_space<semaphore_mem>>
      %dma_start3A_13 = tpu.memref_slice %arg4[%mul3A_2] : memref<2048xi32, #tpu.memory_space<hbm>> -> memref<64xi32, #tpu.memory_space<hbm>>
      %dma_start3A_14 = tpu.memref_slice %arg4[%mul3A_2] : memref<2048xi32, #tpu.memory_space<hbm>> -> memref<64xi32, #tpu.memory_space<hbm>>
      tpu.enqueue_dma source(%dma_start3A_14 : memref<64xi32, #tpu.memory_space<hbm>>) target(%arg9 : memref<64xi32, #tpu.memory_space<vmem>>) target_semaphore(%run_scoped3A : memref<!tpu.dma_semaphore, #tpu.memory_space<semaphore_mem>>)
      %dma_wait3A_15 = tpu.memref_slice %arg4[%mul3A_2] : memref<2048xi32, #tpu.memory_space<hbm>> -> memref<64xi32, #tpu.memory_space<hbm>>
      %dma_wait3A_16 = tpu.memref_slice %arg4[%mul3A_2] : memref<2048xi32, #tpu.memory_space<hbm>> -> memref<64xi32, #tpu.memory_space<hbm>>
      tpu.wait_dma2 semaphore(%run_scoped3A : memref<!tpu.dma_semaphore, #tpu.memory_space<semaphore_mem>>) src(%dma_wait3A_16 : memref<64xi32, #tpu.memory_space<hbm>>) dst(%arg9 : memref<64xi32, #tpu.memory_space<vmem>>)
      tpu.yield
    }) : () -> ()
    %dma_start3A = arith.constant 0 : i32
    %dma_start3A_3 = arith.constant 0 : i32
    %dma_start3A_4 = tpu.memref_slice %arg2[%dma_start3A, %dma_start3A_3] : memref<12288x768xf32, #tpu.memory_space<hbm>> -> memref<12288x768xf32, #tpu.memory_space<hbm>>
    tpu.enqueue_indirect_dma source(%dma_start3A_4 : memref<12288x768xf32, #tpu.memory_space<hbm>>) target(%arg7 : memref<64x768xf32, #tpu.memory_space<vmem>>) offsets(%arg8 : memref<64xi32, #tpu.memory_space<vmem>>) semaphore(%arg10 : memref<!tpu.dma_semaphore, #tpu.memory_space<semaphore_mem>>)
    %dma_wait3A = arith.constant 0 : i32
    %dma_wait3A_5 = arith.constant 0 : i32
    %dma_wait3A_6 = tpu.memref_slice %arg2[%dma_wait3A, %dma_wait3A_5] : memref<12288x768xf32, #tpu.memory_space<hbm>> -> memref<12288x768xf32, #tpu.memory_space<hbm>>
    tpu.wait_indirect_dma semaphore(%arg10 : memref<!tpu.dma_semaphore, #tpu.memory_space<semaphore_mem>>) src(%dma_wait3A_6 : memref<12288x768xf32, #tpu.memory_space<hbm>>) dst(%arg7 : memref<64x768xf32, #tpu.memory_space<vmem>>)
    "tpu.region"() ({
      %run_scoped3A = tpu.sem_alloc : memref<!tpu.dma_semaphore, #tpu.memory_space<semaphore_mem>>
      %dma_start3A_13 = arith.constant 0 : i32
      %dma_start3A_14 = tpu.memref_slice %arg5[%mul3A_2, %dma_start3A_13] : memref<2048x768xf32, #tpu.memory_space<hbm>> -> memref<64x768xf32, #tpu.memory_space<hbm>>
      %dma_start3A_15 = arith.constant 0 : i32
      %dma_start3A_16 = tpu.memref_slice %arg5[%mul3A_2, %dma_start3A_15] : memref<2048x768xf32, #tpu.memory_space<hbm>> -> memref<64x768xf32, #tpu.memory_space<hbm>>
      tpu.enqueue_dma source(%arg7 : memref<64x768xf32, #tpu.memory_space<vmem>>) target(%dma_start3A_16 : memref<64x768xf32, #tpu.memory_space<hbm>>) target_semaphore(%run_scoped3A : memref<!tpu.dma_semaphore, #tpu.memory_space<semaphore_mem>>)
      %dma_wait3A_17 = arith.constant 0 : i32
      %dma_wait3A_18 = tpu.memref_slice %arg5[%mul3A_2, %dma_wait3A_17] : memref<2048x768xf32, #tpu.memory_space<hbm>> -> memref<64x768xf32, #tpu.memory_space<hbm>>
      %dma_wait3A_19 = arith.constant 0 : i32
      %dma_wait3A_20 = tpu.memref_slice %arg5[%mul3A_2, %dma_wait3A_19] : memref<2048x768xf32, #tpu.memory_space<hbm>> -> memref<64x768xf32, #tpu.memory_space<hbm>>
      tpu.wait_dma2 semaphore(%run_scoped3A : memref<!tpu.dma_semaphore, #tpu.memory_space<semaphore_mem>>) src(%arg7 : memref<64x768xf32, #tpu.memory_space<vmem>>) dst(%dma_wait3A_20 : memref<64x768xf32, #tpu.memory_space<hbm>>)
      tpu.yield
    }) : () -> ()
    %dma_start3A_7 = arith.constant 0 : i32
    %dma_start3A_8 = arith.constant 0 : i32
    %dma_start3A_9 = tpu.memref_slice %arg2[%dma_start3A_7, %dma_start3A_8] : memref<12288x768xf32, #tpu.memory_space<hbm>> -> memref<12288x768xf32, #tpu.memory_space<hbm>>
    tpu.enqueue_indirect_dma source(%dma_start3A_9 : memref<12288x768xf32, #tpu.memory_space<hbm>>) target(%arg7 : memref<64x768xf32, #tpu.memory_space<vmem>>) offsets(%arg9 : memref<64xi32, #tpu.memory_space<vmem>>) semaphore(%arg10 : memref<!tpu.dma_semaphore, #tpu.memory_space<semaphore_mem>>)
    %dma_wait3A_10 = arith.constant 0 : i32
    %dma_wait3A_11 = arith.constant 0 : i32
    %dma_wait3A_12 = tpu.memref_slice %arg2[%dma_wait3A_10, %dma_wait3A_11] : memref<12288x768xf32, #tpu.memory_space<hbm>> -> memref<12288x768xf32, #tpu.memory_space<hbm>>
    tpu.wait_indirect_dma semaphore(%arg10 : memref<!tpu.dma_semaphore, #tpu.memory_space<semaphore_mem>>) src(%dma_wait3A_12 : memref<12288x768xf32, #tpu.memory_space<hbm>>) dst(%arg7 : memref<64x768xf32, #tpu.memory_space<vmem>>)
    "tpu.region"() ({
      %run_scoped3A = tpu.sem_alloc : memref<!tpu.dma_semaphore, #tpu.memory_space<semaphore_mem>>
      %dma_start3A_13 = arith.constant 0 : i32
      %dma_start3A_14 = tpu.memref_slice %arg6[%mul3A_2, %dma_start3A_13] : memref<2048x768xf32, #tpu.memory_space<hbm>> -> memref<64x768xf32, #tpu.memory_space<hbm>>
      %dma_start3A_15 = arith.constant 0 : i32
      %dma_start3A_16 = tpu.memref_slice %arg6[%mul3A_2, %dma_start3A_15] : memref<2048x768xf32, #tpu.memory_space<hbm>> -> memref<64x768xf32, #tpu.memory_space<hbm>>
      tpu.enqueue_dma source(%arg7 : memref<64x768xf32, #tpu.memory_space<vmem>>) target(%dma_start3A_16 : memref<64x768xf32, #tpu.memory_space<hbm>>) target_semaphore(%run_scoped3A : memref<!tpu.dma_semaphore, #tpu.memory_space<semaphore_mem>>)
      %dma_wait3A_17 = arith.constant 0 : i32
      %dma_wait3A_18 = tpu.memref_slice %arg6[%mul3A_2, %dma_wait3A_17] : memref<2048x768xf32, #tpu.memory_space<hbm>> -> memref<64x768xf32, #tpu.memory_space<hbm>>
      %dma_wait3A_19 = arith.constant 0 : i32
      %dma_wait3A_20 = tpu.memref_slice %arg6[%mul3A_2, %dma_wait3A_19] : memref<2048x768xf32, #tpu.memory_space<hbm>> -> memref<64x768xf32, #tpu.memory_space<hbm>>
      tpu.wait_dma2 semaphore(%run_scoped3A : memref<!tpu.dma_semaphore, #tpu.memory_space<semaphore_mem>>) src(%arg7 : memref<64x768xf32, #tpu.memory_space<vmem>>) dst(%dma_wait3A_20 : memref<64x768xf32, #tpu.memory_space<hbm>>)
      tpu.yield
    }) : () -> ()
    return
  }
}

module attributes {stable_mosaic.version = 14 : i64} {
  func.func @_norm_route_body(%arg0: memref<2048x768xf32, #tpu.memory_space<vmem>>, %arg1: memref<1x768xf32, #tpu.memory_space<vmem>>, %arg2: memref<768x64xf32, #tpu.memory_space<vmem>>, %arg3: memref<1x64xf32, #tpu.memory_space<vmem>>, %arg4: memref<2048x768xf32, #tpu.memory_space<vmem>>, %arg5: memref<2048xi32, #tpu.memory_space<vmem>>, %arg6: memref<2048xi32, #tpu.memory_space<vmem>>, %arg7: memref<2048xf32, #tpu.memory_space<vmem>>, %arg8: memref<2048xf32, #tpu.memory_space<vmem>>, %arg9: memref<96xi32, #tpu.memory_space<vmem>>, %arg10: memref<96xi32, #tpu.memory_space<vmem>>) attributes {dimension_semantics = [], scalar_prefetch = 0 : i64, scratch_operands = 0 : i64, tpu.core_type = #tpu.core_type<tc>} {
    %get3A = arith.constant 0 : index
    %get3A_0 = arith.constant 0 : index
    %get3A_1 = vector.load %arg0[%get3A, %get3A_0] : memref<2048x768xf32, #tpu.memory_space<vmem>>, vector<2048x768xf32>
    %mul3A = arith.mulf %get3A_1, %get3A_1 : vector<2048x768xf32>
    %reduce_sum3A = arith.constant dense<0.000000e+00> : vector<2048xf32>
    %reduce_sum3A_2 = vector.multi_reduction <add>, %mul3A, %reduce_sum3A [1] : vector<2048x768xf32> to vector<2048xf32>
    %broadcast_in_dim3A = vector.shape_cast %reduce_sum3A_2 : vector<2048xf32> to vector<2048x1xf32>
    %div3A = arith.constant 7.680000e+02 : f32
    %div3A_3 = vector.broadcast %div3A : f32 to vector<2048x1xf32>
    %div3A_4 = arith.divf %broadcast_in_dim3A, %div3A_3 : vector<2048x1xf32>
    %add3A = arith.constant 9.99999974E-6 : f32
    %add3A_5 = vector.broadcast %add3A : f32 to vector<2048x1xf32>
    %add3A_6 = arith.addf %div3A_4, %add3A_5 : vector<2048x1xf32>
    %rsqrt3A = math.rsqrt %add3A_6 : vector<2048x1xf32>
    %mul3A_7 = vector.broadcast %rsqrt3A : vector<2048x1xf32> to vector<2048x768xf32>
    %mul3A_8 = arith.mulf %get3A_1, %mul3A_7 : vector<2048x768xf32>
    %get3A_9 = arith.constant 0 : index
    %get3A_10 = arith.constant 0 : index
    %get3A_11 = vector.load %arg1[%get3A_9, %get3A_10] : memref<1x768xf32, #tpu.memory_space<vmem>>, vector<1x768xf32>
    %mul3A_12 = vector.broadcast %get3A_11 : vector<1x768xf32> to vector<2048x768xf32>
    %mul3A_13 = arith.mulf %mul3A_8, %mul3A_12 : vector<2048x768xf32>
    %swap3A = arith.constant 0 : index
    %swap3A_14 = arith.constant 0 : index
    %swap3A_15 = vector.load %arg4[%swap3A, %swap3A_14] : memref<2048x768xf32, #tpu.memory_space<vmem>>, vector<2048x768xf32>
    tpu.vector_store %arg4[%swap3A, %swap3A_14], %mul3A_13 {strides = array<i32>} : memref<2048x768xf32, #tpu.memory_space<vmem>>, vector<2048x768xf32>,
    %get3A_16 = arith.constant 0 : index
    %get3A_17 = arith.constant 0 : index
    %get3A_18 = vector.load %arg2[%get3A_16, %get3A_17] : memref<768x64xf32, #tpu.memory_space<vmem>>, vector<768x64xf32>
    %dot_general3A = arith.constant dense<0.000000e+00> : vector<2048x64xf32>
    %dot_general3A_19 = tpu.matmul %mul3A_13, %get3A_18, %dot_general3A {dimension_numbers = #tpu.dot_dimension_numbers<[1], [0], [0], [1], [0, 0, 1, 1], [], []>, transpose_lhs_hint = false} : vector<2048x768xf32>, vector<768x64xf32>, vector<2048x64xf32> -> vector<2048x64xf32>
    %get3A_20 = arith.constant 0 : index
    %get3A_21 = arith.constant 0 : index
    %get3A_22 = vector.load %arg3[%get3A_20, %get3A_21] : memref<1x64xf32, #tpu.memory_space<vmem>>, vector<1x64xf32>
    %add3A_23 = vector.broadcast %get3A_22 : vector<1x64xf32> to vector<2048x64xf32>
    %add3A_24 = arith.addf %dot_general3A_19, %add3A_23 : vector<2048x64xf32>
    %iota3A = tpu.iota {dimensions = array<i32: 1>} : vector<2048x64xi32>
    %reduce_max3A = arith.constant dense<0xFF800000> : vector<2048xf32>
    %reduce_max3A_25 = vector.multi_reduction <maximumf>, %add3A_24, %reduce_max3A [1] : vector<2048x64xf32> to vector<2048xf32>
    %broadcast_in_dim3A_26 = vector.shape_cast %reduce_max3A_25 : vector<2048xf32> to vector<2048x1xf32>
    %eq3A = vector.broadcast %broadcast_in_dim3A_26 : vector<2048x1xf32> to vector<2048x64xf32>
    %eq3A_27 = arith.cmpf oeq, %add3A_24, %eq3A : vector<2048x64xf32>
    %jit3A = arith.constant 64 : i32
    %broadcast_in_dim3A_28 = vector.broadcast %jit3A : i32 to vector<2048x64xi32>
    %select_n3A = arith.select %eq3A_27, %iota3A, %broadcast_in_dim3A_28 : vector<2048x64xi1>, vector<2048x64xi32>
    %reduce_min3A = arith.constant dense<2147483647> : vector<2048xi32>
    %reduce_min3A_29 = vector.multi_reduction <minsi>, %select_n3A, %reduce_min3A [1] : vector<2048x64xi32> to vector<2048xi32>
    %broadcast_in_dim3A_30 = vector.shape_cast %reduce_min3A_29 : vector<2048xi32> to vector<2048x1xi32>
    %eq3A_31 = vector.broadcast %broadcast_in_dim3A_30 : vector<2048x1xi32> to vector<2048x64xi32>
    %eq3A_32 = arith.cmpi eq, %iota3A, %eq3A_31 : vector<2048x64xi32>
    %jit3A_33 = arith.constant 0xFF800000 : f32
    %broadcast_in_dim3A_34 = vector.broadcast %jit3A_33 : f32 to vector<2048x64xf32>
    %select_n3A_35 = arith.select %eq3A_32, %broadcast_in_dim3A_34, %add3A_24 : vector<2048x64xi1>, vector<2048x64xf32>
    %reduce_max3A_36 = arith.constant dense<0xFF800000> : vector<2048xf32>
    %reduce_max3A_37 = vector.multi_reduction <maximumf>, %select_n3A_35, %reduce_max3A_36 [1] : vector<2048x64xf32> to vector<2048xf32>
    %broadcast_in_dim3A_38 = vector.shape_cast %reduce_max3A_37 : vector<2048xf32> to vector<2048x1xf32>
    %eq3A_39 = vector.broadcast %broadcast_in_dim3A_38 : vector<2048x1xf32> to vector<2048x64xf32>
    %eq3A_40 = arith.cmpf oeq, %select_n3A_35, %eq3A_39 : vector<2048x64xf32>
    %jit3A_41 = arith.constant 64 : i32
    %broadcast_in_dim3A_42 = vector.broadcast %jit3A_41 : i32 to vector<2048x64xi32>
    %select_n3A_43 = arith.select %eq3A_40, %iota3A, %broadcast_in_dim3A_42 : vector<2048x64xi1>, vector<2048x64xi32>
    %reduce_min3A_44 = arith.constant dense<2147483647> : vector<2048xi32>
    %reduce_min3A_45 = vector.multi_reduction <minsi>, %select_n3A_43, %reduce_min3A_44 [1] : vector<2048x64xi32> to vector<2048xi32>
    %broadcast_in_dim3A_46 = vector.shape_cast %reduce_min3A_45 : vector<2048xi32> to vector<2048x1xi32>
    %sub3A = arith.subf %broadcast_in_dim3A_38, %broadcast_in_dim3A_26 : vector<2048x1xf32>
    %exp3A = math.exp %sub3A : vector<2048x1xf32>
    %add3A_47 = arith.constant 1.000000e+00 : f32
    %add3A_48 = vector.broadcast %add3A_47 : f32 to vector<2048x1xf32>
    %add3A_49 = arith.addf %add3A_48, %exp3A : vector<2048x1xf32>
    %div3A_50 = arith.constant 1.000000e+00 : f32
    %div3A_51 = vector.broadcast %div3A_50 : f32 to vector<2048x1xf32>
    %div3A_52 = arith.divf %div3A_51, %add3A_49 : vector<2048x1xf32>
    %squeeze3A = vector.shape_cast %div3A_52 : vector<2048x1xf32> to vector<2048xf32>
    %swap3A_53 = arith.constant 0 : index
    %swap3A_54 = vector.load %arg7[%swap3A_53] : memref<2048xf32, #tpu.memory_space<vmem>>, vector<2048xf32>
    tpu.vector_store %arg7[%swap3A_53], %squeeze3A {strides = array<i32>} : memref<2048xf32, #tpu.memory_space<vmem>>, vector<2048xf32>,
    %squeeze3A_55 = vector.shape_cast %div3A_52 : vector<2048x1xf32> to vector<2048xf32>
    %sub3A_56 = arith.constant 1.000000e+00 : f32
    %sub3A_57 = vector.broadcast %sub3A_56 : f32 to vector<2048xf32>
    %sub3A_58 = arith.subf %sub3A_57, %squeeze3A_55 : vector<2048xf32>
    %swap3A_59 = arith.constant 0 : index
    %swap3A_60 = vector.load %arg8[%swap3A_59] : memref<2048xf32, #tpu.memory_space<vmem>>, vector<2048xf32>
    tpu.vector_store %arg8[%swap3A_59], %sub3A_58 {strides = array<i32>} : memref<2048xf32, #tpu.memory_space<vmem>>, vector<2048xf32>,
    %eq3A_61 = vector.broadcast %broadcast_in_dim3A_30 : vector<2048x1xi32> to vector<2048x64xi32>
    %eq3A_62 = arith.cmpi eq, %iota3A, %eq3A_61 : vector<2048x64xi32>
    %jit3A_63 = arith.constant 1.000000e+00 : f32
    %jit3A_64 = arith.constant 0.000000e+00 : f32
    %broadcast_in_dim3A_65 = vector.broadcast %jit3A_63 : f32 to vector<2048x64xf32>
    %broadcast_in_dim3A_66 = vector.broadcast %jit3A_64 : f32 to vector<2048x64xf32>
    %select_n3A_67 = arith.select %eq3A_62, %broadcast_in_dim3A_65, %broadcast_in_dim3A_66 : vector<2048x64xi1>, vector<2048x64xf32>
    %eq3A_68 = vector.broadcast %broadcast_in_dim3A_46 : vector<2048x1xi32> to vector<2048x64xi32>
    %eq3A_69 = arith.cmpi eq, %iota3A, %eq3A_68 : vector<2048x64xi32>
    %jit3A_70 = arith.constant 1.000000e+00 : f32
    %jit3A_71 = arith.constant 0.000000e+00 : f32
    %broadcast_in_dim3A_72 = vector.broadcast %jit3A_70 : f32 to vector<2048x64xf32>
    %broadcast_in_dim3A_73 = vector.broadcast %jit3A_71 : f32 to vector<2048x64xf32>
    %select_n3A_74 = arith.select %eq3A_69, %broadcast_in_dim3A_72, %broadcast_in_dim3A_73 : vector<2048x64xi1>, vector<2048x64xf32>
    %add3A_75 = arith.addf %select_n3A_67, %select_n3A_74 : vector<2048x64xf32>
    %broadcast_in_dim3A_76 = arith.constant 0.000000e+00 : f32
    %broadcast_in_dim3A_77 = vector.broadcast %broadcast_in_dim3A_76 : f32 to vector<1x64xf32>
    %slice3A = vector.extract_strided_slice %add3A_75 {offsets = [0, 0], sizes = [2047, 64], strides = [1, 1]} : vector<2048x64xf32> to vector<2047x64xf32>
    %concatenate3A = tpu.concatenate %broadcast_in_dim3A_77, %slice3A in 0 : vector<1x64xf32>, vector<2047x64xf32> -> vector<2048x64xf32>
    %add3A_78 = arith.addf %add3A_75, %concatenate3A : vector<2048x64xf32>
    %broadcast_in_dim3A_79 = arith.constant 0.000000e+00 : f32
    %broadcast_in_dim3A_80 = vector.broadcast %broadcast_in_dim3A_79 : f32 to vector<2x64xf32>
    %slice3A_81 = vector.extract_strided_slice %add3A_78 {offsets = [0, 0], sizes = [2046, 64], strides = [1, 1]} : vector<2048x64xf32> to vector<2046x64xf32>
    %concatenate3A_82 = tpu.concatenate %broadcast_in_dim3A_80, %slice3A_81 in 0 : vector<2x64xf32>, vector<2046x64xf32> -> vector<2048x64xf32>
    %add3A_83 = arith.addf %add3A_78, %concatenate3A_82 : vector<2048x64xf32>
    %broadcast_in_dim3A_84 = arith.constant 0.000000e+00 : f32
    %broadcast_in_dim3A_85 = vector.broadcast %broadcast_in_dim3A_84 : f32 to vector<4x64xf32>
    %slice3A_86 = vector.extract_strided_slice %add3A_83 {offsets = [0, 0], sizes = [2044, 64], strides = [1, 1]} : vector<2048x64xf32> to vector<2044x64xf32>
    %concatenate3A_87 = tpu.concatenate %broadcast_in_dim3A_85, %slice3A_86 in 0 : vector<4x64xf32>, vector<2044x64xf32> -> vector<2048x64xf32>
    %add3A_88 = arith.addf %add3A_83, %concatenate3A_87 : vector<2048x64xf32>
    %broadcast_in_dim3A_89 = arith.constant 0.000000e+00 : f32
    %broadcast_in_dim3A_90 = vector.broadcast %broadcast_in_dim3A_89 : f32 to vector<8x64xf32>
    %slice3A_91 = vector.extract_strided_slice %add3A_88 {offsets = [0, 0], sizes = [2040, 64], strides = [1, 1]} : vector<2048x64xf32> to vector<2040x64xf32>
    %concatenate3A_92 = tpu.concatenate %broadcast_in_dim3A_90, %slice3A_91 in 0 : vector<8x64xf32>, vector<2040x64xf32> -> vector<2048x64xf32>
    %add3A_93 = arith.addf %add3A_88, %concatenate3A_92 : vector<2048x64xf32>
    %broadcast_in_dim3A_94 = arith.constant 0.000000e+00 : f32
    %broadcast_in_dim3A_95 = vector.broadcast %broadcast_in_dim3A_94 : f32 to vector<16x64xf32>
    %slice3A_96 = vector.extract_strided_slice %add3A_93 {offsets = [0, 0], sizes = [2032, 64], strides = [1, 1]} : vector<2048x64xf32> to vector<2032x64xf32>
    %concatenate3A_97 = tpu.concatenate %broadcast_in_dim3A_95, %slice3A_96 in 0 : vector<16x64xf32>, vector<2032x64xf32> -> vector<2048x64xf32>
    %add3A_98 = arith.addf %add3A_93, %concatenate3A_97 : vector<2048x64xf32>
    %broadcast_in_dim3A_99 = arith.constant 0.000000e+00 : f32
    %broadcast_in_dim3A_100 = vector.broadcast %broadcast_in_dim3A_99 : f32 to vector<32x64xf32>
    %slice3A_101 = vector.extract_strided_slice %add3A_98 {offsets = [0, 0], sizes = [2016, 64], strides = [1, 1]} : vector<2048x64xf32> to vector<2016x64xf32>
    %concatenate3A_102 = tpu.concatenate %broadcast_in_dim3A_100, %slice3A_101 in 0 : vector<32x64xf32>, vector<2016x64xf32> -> vector<2048x64xf32>
    %add3A_103 = arith.addf %add3A_98, %concatenate3A_102 : vector<2048x64xf32>
    %broadcast_in_dim3A_104 = arith.constant 0.000000e+00 : f32
    %broadcast_in_dim3A_105 = vector.broadcast %broadcast_in_dim3A_104 : f32 to vector<64x64xf32>
    %slice3A_106 = vector.extract_strided_slice %add3A_103 {offsets = [0, 0], sizes = [1984, 64], strides = [1, 1]} : vector<2048x64xf32> to vector<1984x64xf32>
    %concatenate3A_107 = tpu.concatenate %broadcast_in_dim3A_105, %slice3A_106 in 0 : vector<64x64xf32>, vector<1984x64xf32> -> vector<2048x64xf32>
    %add3A_108 = arith.addf %add3A_103, %concatenate3A_107 : vector<2048x64xf32>
    %broadcast_in_dim3A_109 = arith.constant 0.000000e+00 : f32
    %broadcast_in_dim3A_110 = vector.broadcast %broadcast_in_dim3A_109 : f32 to vector<128x64xf32>
    %slice3A_111 = vector.extract_strided_slice %add3A_108 {offsets = [0, 0], sizes = [1920, 64], strides = [1, 1]} : vector<2048x64xf32> to vector<1920x64xf32>
    %concatenate3A_112 = tpu.concatenate %broadcast_in_dim3A_110, %slice3A_111 in 0 : vector<128x64xf32>, vector<1920x64xf32> -> vector<2048x64xf32>
    %add3A_113 = arith.addf %add3A_108, %concatenate3A_112 : vector<2048x64xf32>
    %broadcast_in_dim3A_114 = arith.constant 0.000000e+00 : f32
    %broadcast_in_dim3A_115 = vector.broadcast %broadcast_in_dim3A_114 : f32 to vector<256x64xf32>
    %slice3A_116 = vector.extract_strided_slice %add3A_113 {offsets = [0, 0], sizes = [1792, 64], strides = [1, 1]} : vector<2048x64xf32> to vector<1792x64xf32>
    %concatenate3A_117 = tpu.concatenate %broadcast_in_dim3A_115, %slice3A_116 in 0 : vector<256x64xf32>, vector<1792x64xf32> -> vector<2048x64xf32>
    %add3A_118 = arith.addf %add3A_113, %concatenate3A_117 : vector<2048x64xf32>
    %broadcast_in_dim3A_119 = arith.constant 0.000000e+00 : f32
    %broadcast_in_dim3A_120 = vector.broadcast %broadcast_in_dim3A_119 : f32 to vector<512x64xf32>
    %slice3A_121 = vector.extract_strided_slice %add3A_118 {offsets = [0, 0], sizes = [1536, 64], strides = [1, 1]} : vector<2048x64xf32> to vector<1536x64xf32>
    %concatenate3A_122 = tpu.concatenate %broadcast_in_dim3A_120, %slice3A_121 in 0 : vector<512x64xf32>, vector<1536x64xf32> -> vector<2048x64xf32>
    %add3A_123 = arith.addf %add3A_118, %concatenate3A_122 : vector<2048x64xf32>
    %broadcast_in_dim3A_124 = arith.constant 0.000000e+00 : f32
    %broadcast_in_dim3A_125 = vector.broadcast %broadcast_in_dim3A_124 : f32 to vector<1024x64xf32>
    %slice3A_126 = vector.extract_strided_slice %add3A_123 {offsets = [0, 0], sizes = [1024, 64], strides = [1, 1]} : vector<2048x64xf32> to vector<1024x64xf32>
    %concatenate3A_127 = tpu.concatenate %broadcast_in_dim3A_125, %slice3A_126 in 0 : vector<1024x64xf32>, vector<1024x64xf32> -> vector<2048x64xf32>
    %add3A_128 = arith.addf %add3A_123, %concatenate3A_127 : vector<2048x64xf32>
    %sub3A_129 = arith.subf %add3A_128, %add3A_75 : vector<2048x64xf32>
    %slice3A_130 = vector.extract_strided_slice %add3A_128 {offsets = [2047, 0], sizes = [1, 64], strides = [1, 1]} : vector<2048x64xf32> to vector<1x64xf32>
    %convert_element_type3A = arith.fptosi %slice3A_130 : vector<1x64xf32> to vector<1x64xi32>
    %add3A_131 = arith.constant 128 : i32
    %add3A_132 = vector.broadcast %add3A_131 : i32 to vector<1x64xi32>
    %add3A_133 = arith.addi %convert_element_type3A, %add3A_132 : vector<1x64xi32>
    %sub3A_134 = arith.constant 1 : i32
    %sub3A_135 = vector.broadcast %sub3A_134 : i32 to vector<1x64xi32>
    %sub3A_136 = arith.subi %add3A_133, %sub3A_135 : vector<1x64xi32>
    %jit3A_137 = arith.constant 128 : i32
    %div3A_138 = vector.broadcast %jit3A_137 : i32 to vector<1x64xi32>
    %div3A_139 = arith.divsi %sub3A_136, %div3A_138 : vector<1x64xi32>
    %sign3A = arith.constant 0 : i32
    %sign3A_140 = vector.broadcast %sign3A : i32 to vector<1x64xi32>
    %sign3A_141 = arith.cmpi sgt, %sub3A_136, %sign3A_140 : vector<1x64xi32>
    %sign3A_142 = arith.extui %sign3A_141 : vector<1x64xi1> to vector<1x64xi32>
    %sign3A_143 = arith.constant 0 : i32
    %sign3A_144 = vector.broadcast %sign3A_143 : i32 to vector<1x64xi32>
    %sign3A_145 = arith.cmpi slt, %sub3A_136, %sign3A_144 : vector<1x64xi32>
    %sign3A_146 = arith.extui %sign3A_145 : vector<1x64xi1> to vector<1x64xi32>
    %sign3A_147 = arith.subi %sign3A_142, %sign3A_146 : vector<1x64xi32>
    %sign3A_148 = arith.constant 0 : i32
    %sign3A_149 = arith.cmpi sgt, %jit3A_137, %sign3A_148 : i32
    %sign3A_150 = arith.extui %sign3A_149 : i1 to i32
    %sign3A_151 = arith.constant 0 : i32
    %sign3A_152 = arith.cmpi slt, %jit3A_137, %sign3A_151 : i32
    %sign3A_153 = arith.extui %sign3A_152 : i1 to i32
    %sign3A_154 = arith.subi %sign3A_150, %sign3A_153 : i32
    %ne3A = vector.broadcast %sign3A_154 : i32 to vector<1x64xi32>
    %ne3A_155 = arith.cmpi ne, %sign3A_147, %ne3A : vector<1x64xi32>
    %rem3A = vector.broadcast %jit3A_137 : i32 to vector<1x64xi32>
    %rem3A_156 = arith.remsi %sub3A_136, %rem3A : vector<1x64xi32>
    %ne3A_157 = arith.constant 0 : i32
    %ne3A_158 = vector.broadcast %ne3A_157 : i32 to vector<1x64xi32>
    %ne3A_159 = arith.cmpi ne, %rem3A_156, %ne3A_158 : vector<1x64xi32>
    %and3A = arith.andi %ne3A_155, %ne3A_159 : vector<1x64xi1>
    %sub3A_160 = arith.constant 1 : i32
    %sub3A_161 = vector.broadcast %sub3A_160 : i32 to vector<1x64xi32>
    %sub3A_162 = arith.subi %div3A_139, %sub3A_161 : vector<1x64xi32>
    %select_n3A_163 = arith.select %and3A, %sub3A_162, %div3A_139 : vector<1x64xi1>, vector<1x64xi32>
    %mul3A_164 = arith.constant 128 : i32
    %mul3A_165 = vector.broadcast %mul3A_164 : i32 to vector<1x64xi32>
    %mul3A_166 = arith.muli %select_n3A_163, %mul3A_165 : vector<1x64xi32>
    %convert_element_type3A_167 = arith.sitofp %mul3A_166 : vector<1x64xi32> to vector<1x64xf32>
    %iota3A_168 = tpu.iota {dimensions = array<i32: 0>} : vector<64x64xi32>
    %iota3A_169 = tpu.iota {dimensions = array<i32: 1>} : vector<64x64xi32>
    %lt3A = arith.cmpi slt, %iota3A_168, %iota3A_169 : vector<64x64xi32>
    %jit3A_170 = arith.constant 1.000000e+00 : f32
    %jit3A_171 = arith.constant 0.000000e+00 : f32
    %broadcast_in_dim3A_172 = vector.broadcast %jit3A_170 : f32 to vector<64x64xf32>
    %broadcast_in_dim3A_173 = vector.broadcast %jit3A_171 : f32 to vector<64x64xf32>
    %select_n3A_174 = arith.select %lt3A, %broadcast_in_dim3A_172, %broadcast_in_dim3A_173 : vector<64x64xi1>, vector<64x64xf32>
    %dot_general3A_175 = arith.constant dense<0.000000e+00> : vector<1x64xf32>
    %dot_general3A_176 = tpu.matmul %convert_element_type3A_167, %select_n3A_174, %dot_general3A_175 {dimension_numbers = #tpu.dot_dimension_numbers<[1], [0], [0], [1], [0, 0, 1, 1], [], []>, transpose_lhs_hint = false} : vector<1x64xf32>, vector<64x64xf32>, vector<1x64xf32> -> vector<1x64xf32>
    %eq3A_177 = vector.broadcast %broadcast_in_dim3A_30 : vector<2048x1xi32> to vector<2048x64xi32>
    %eq3A_178 = arith.cmpi eq, %iota3A, %eq3A_177 : vector<2048x64xi32>
    %add3A_179 = vector.broadcast %dot_general3A_176 : vector<1x64xf32> to vector<2048x64xf32>
    %add3A_180 = arith.addf %add3A_179, %sub3A_129 : vector<2048x64xf32>
    %jit3A_181 = arith.constant 0.000000e+00 : f32
    %broadcast_in_dim3A_182 = vector.broadcast %jit3A_181 : f32 to vector<2048x64xf32>
    %select_n3A_183 = arith.select %eq3A_178, %add3A_180, %broadcast_in_dim3A_182 : vector<2048x64xi1>, vector<2048x64xf32>
    %reduce_sum3A_184 = arith.constant dense<0.000000e+00> : vector<2048xf32>
    %reduce_sum3A_185 = vector.multi_reduction <add>, %select_n3A_183, %reduce_sum3A_184 [1] : vector<2048x64xf32> to vector<2048xf32>
    %eq3A_186 = vector.broadcast %broadcast_in_dim3A_46 : vector<2048x1xi32> to vector<2048x64xi32>
    %eq3A_187 = arith.cmpi eq, %iota3A, %eq3A_186 : vector<2048x64xi32>
    %add3A_188 = vector.broadcast %dot_general3A_176 : vector<1x64xf32> to vector<2048x64xf32>
    %add3A_189 = arith.addf %add3A_188, %sub3A_129 : vector<2048x64xf32>
    %jit3A_190 = arith.constant 0.000000e+00 : f32
    %broadcast_in_dim3A_191 = vector.broadcast %jit3A_190 : f32 to vector<2048x64xf32>
    %select_n3A_192 = arith.select %eq3A_187, %add3A_189, %broadcast_in_dim3A_191 : vector<2048x64xi1>, vector<2048x64xf32>
    %reduce_sum3A_193 = arith.constant dense<0.000000e+00> : vector<2048xf32>
    %reduce_sum3A_194 = vector.multi_reduction <add>, %select_n3A_192, %reduce_sum3A_193 [1] : vector<2048x64xf32> to vector<2048xf32>
    %convert_element_type3A_195 = arith.fptosi %reduce_sum3A_185 : vector<2048xf32> to vector<2048xi32>
    %swap3A_196 = arith.constant 0 : index
    %swap3A_197 = vector.load %arg5[%swap3A_196] : memref<2048xi32, #tpu.memory_space<vmem>>, vector<2048xi32>
    tpu.vector_store %arg5[%swap3A_196], %convert_element_type3A_195 {strides = array<i32>} : memref<2048xi32, #tpu.memory_space<vmem>>, vector<2048xi32>,
    %convert_element_type3A_198 = arith.fptosi %reduce_sum3A_194 : vector<2048xf32> to vector<2048xi32>
    %swap3A_199 = arith.constant 0 : index
    %swap3A_200 = vector.load %arg6[%swap3A_199] : memref<2048xi32, #tpu.memory_space<vmem>>, vector<2048xi32>
    tpu.vector_store %arg6[%swap3A_199], %convert_element_type3A_198 {strides = array<i32>} : memref<2048xi32, #tpu.memory_space<vmem>>, vector<2048xi32>,
    %reduce_sum3A_201 = vector.shape_cast %convert_element_type3A_167 : vector<1x64xf32> to vector<1x1x64xf32>
    %reduce_sum3A_202 = arith.constant dense<0.000000e+00> : vector<1xf32>
    %reduce_sum3A_203 = vector.multi_reduction <add>, %reduce_sum3A_201, %reduce_sum3A_202 [1, 2] : vector<1x1x64xf32> to vector<1xf32>
    %reduce_sum3A_204 = vector.shape_cast %reduce_sum3A_203 : vector<1xf32> to vector<1x1x1xf32>
    %reduce_sum3A_205 = vector.extract %reduce_sum3A_204[0, 0, 0] : f32 from vector<1x1x1xf32>
    %convert_element_type3A_206 = arith.fptosi %dot_general3A_176 : vector<1x64xf32> to vector<1x64xi32>
    %iota3A_207 = tpu.iota {dimensions = array<i32: 0>} : vector<96x64xi32>
    %mul3A_208 = arith.constant 128 : i32
    %mul3A_209 = vector.broadcast %mul3A_208 : i32 to vector<96x64xi32>
    %mul3A_210 = arith.muli %iota3A_207, %mul3A_209 : vector<96x64xi32>
    %ge3A = vector.broadcast %convert_element_type3A_206 : vector<1x64xi32> to vector<96x64xi32>
    %ge3A_211 = arith.cmpi sge, %mul3A_210, %ge3A : vector<96x64xi32>
    %add3A_212 = arith.addi %convert_element_type3A_206, %mul3A_166 : vector<1x64xi32>
    %lt3A_213 = vector.broadcast %add3A_212 : vector<1x64xi32> to vector<96x64xi32>
    %lt3A_214 = arith.cmpi slt, %mul3A_210, %lt3A_213 : vector<96x64xi32>
    %and3A_215 = arith.andi %ge3A_211, %lt3A_214 : vector<96x64xi1>
    %iota3A_216 = tpu.iota {dimensions = array<i32: 1>} : vector<96x64xi32>
    %convert_element_type3A_217 = arith.sitofp %iota3A_216 : vector<96x64xi32> to vector<96x64xf32>
    %jit3A_218 = arith.constant 0.000000e+00 : f32
    %broadcast_in_dim3A_219 = vector.broadcast %jit3A_218 : f32 to vector<96x64xf32>
    %select_n3A_220 = arith.select %and3A_215, %convert_element_type3A_217, %broadcast_in_dim3A_219 : vector<96x64xi1>, vector<96x64xf32>
    %reduce_sum3A_221 = arith.constant dense<0.000000e+00> : vector<96xf32>
    %reduce_sum3A_222 = vector.multi_reduction <add>, %select_n3A_220, %reduce_sum3A_221 [1] : vector<96x64xf32> to vector<96xf32>
    %convert_element_type3A_223 = arith.fptosi %reduce_sum3A_222 : vector<96xf32> to vector<96xi32>
    %iota3A_224 = tpu.iota {dimensions = array<i32: 1>} : vector<1x96xi32>
    %iota3A_225 = vector.shape_cast %iota3A_224 : vector<1x96xi32> to vector<96xi32>
    %convert_element_type3A_226 = arith.sitofp %iota3A_225 : vector<96xi32> to vector<96xf32>
    %mul3A_227 = arith.constant 1.280000e+02 : f32
    %mul3A_228 = vector.broadcast %mul3A_227 : f32 to vector<96xf32>
    %mul3A_229 = arith.mulf %convert_element_type3A_226, %mul3A_228 : vector<96xf32>
    %lt3A_230 = vector.broadcast %reduce_sum3A_205 : f32 to vector<96xf32>
    %lt3A_231 = arith.cmpf olt, %mul3A_229, %lt3A_230 : vector<96xf32>
    %convert_element_type3A_232 = arith.extui %lt3A_231 : vector<96xi1> to vector<96xi32>
    %eq3A_233 = arith.constant 1 : i32
    %eq3A_234 = vector.broadcast %eq3A_233 : i32 to vector<96xi32>
    %eq3A_235 = arith.cmpi eq, %convert_element_type3A_232, %eq3A_234 : vector<96xi32>
    %jit3A_236 = arith.constant -1 : i32
    %broadcast_in_dim3A_237 = vector.broadcast %jit3A_236 : i32 to vector<96xi32>
    %select_n3A_238 = arith.select %eq3A_235, %convert_element_type3A_223, %broadcast_in_dim3A_237 : vector<96xi1>, vector<96xi32>
    %reduce_max3A_239 = vector.shape_cast %select_n3A_238 : vector<96xi32> to vector<1x96xi32>
    %reduce_max3A_240 = arith.constant dense<-2147483648> : vector<1xi32>
    %reduce_max3A_241 = vector.multi_reduction <maxsi>, %reduce_max3A_239, %reduce_max3A_240 [1] : vector<1x96xi32> to vector<1xi32>
    %reduce_max3A_242 = vector.shape_cast %reduce_max3A_241 : vector<1xi32> to vector<1x1xi32>
    %reduce_max3A_243 = vector.extract %reduce_max3A_242[0, 0] : i32 from vector<1x1xi32>
    %eq3A_244 = arith.constant 1 : i32
    %eq3A_245 = vector.broadcast %eq3A_244 : i32 to vector<96xi32>
    %eq3A_246 = arith.cmpi eq, %convert_element_type3A_232, %eq3A_245 : vector<96xi32>
    %broadcast_in_dim3A_247 = vector.broadcast %reduce_max3A_243 : i32 to vector<96xi32>
    %select_n3A_248 = arith.select %eq3A_246, %convert_element_type3A_223, %broadcast_in_dim3A_247 : vector<96xi1>, vector<96xi32>
    %swap3A_249 = arith.constant 0 : index
    %swap3A_250 = vector.load %arg9[%swap3A_249] : memref<96xi32, #tpu.memory_space<vmem>>, vector<96xi32>
    tpu.vector_store %arg9[%swap3A_249], %select_n3A_248 {strides = array<i32>} : memref<96xi32, #tpu.memory_space<vmem>>, vector<96xi32>,
    %swap3A_251 = arith.constant 0 : index
    %swap3A_252 = vector.load %arg10[%swap3A_251] : memref<96xi32, #tpu.memory_space<vmem>>, vector<96xi32>
    tpu.vector_store %arg10[%swap3A_251], %convert_element_type3A_232 {strides = array<i32>} : memref<96xi32, #tpu.memory_space<vmem>>, vector<96xi32>,
    return
  }
}

module attributes {stable_mosaic.version = 14 : i64} {
  func.func @_mlp_body(%arg0: i32, %arg1: memref<96xi32, #tpu.memory_space<smem>>, %arg2: memref<96xi32, #tpu.memory_space<smem>>, %arg3: memref<128x768xf32, #tpu.memory_space<vmem>>, %arg4: memref<1x768x1536xf32, #tpu.memory_space<vmem>>, %arg5: memref<1x1x1536xf32, #tpu.memory_space<vmem>>, %arg6: memref<1x768x768xf32, #tpu.memory_space<vmem>>, %arg7: memref<1x1x768xf32, #tpu.memory_space<vmem>>, %arg8: memref<1536x768xf32, #tpu.memory_space<vmem>>, %arg9: memref<128x768xf32, #tpu.memory_space<vmem>>) attributes {dimension_semantics = [#tpu.dimension_semantics<arbitrary>], iteration_bounds = array<i64: 96>, scalar_prefetch = 2 : i64, scratch_operands = 0 : i64, tpu.core_type = #tpu.core_type<tc>, window_params = [{transform_indices = @transform_0, window_bounds = array<i64: 128, 768>}, {transform_indices = @transform_1, window_bounds = array<i64: 1, 768, 1536>}, {transform_indices = @transform_2, window_bounds = array<i64: 1, 1, 1536>}, {transform_indices = @transform_3, window_bounds = array<i64: 1, 768, 768>}, {transform_indices = @transform_4, window_bounds = array<i64: 1, 1, 768>}, {pipeline_mode = #tpu.pipeline_mode<synchronous>, transform_indices = @transform_5, window_bounds = array<i64: 1536, 768>}, {transform_indices = @transform_6, window_bounds = array<i64: 128, 768>}]} {
    %get3A = arith.index_cast %arg0 : i32 to index
    %get3A_0 = memref.load %arg2[%get3A] : memref<96xi32, #tpu.memory_space<smem>>
    %eq3A = arith.constant 1 : i32
    %eq3A_1 = arith.cmpi eq, %get3A_0, %eq3A : i32
    %convert_element_type3A = arith.extui %eq3A_1 : i1 to i32
    %cond3A = arith.constant 0 : i32
    %cond3A_2 = arith.cmpi ne, %convert_element_type3A, %cond3A : i32
    scf.if %cond3A_2 {
      %get3A_3 = arith.constant 0 : index
      %get3A_4 = arith.constant 0 : index
      %get3A_5 = vector.load %arg3[%get3A_3, %get3A_4] : memref<128x768xf32, #tpu.memory_space<vmem>>, vector<128x768xf32>
      %get3A_6 = arith.constant 0 : index
      %get3A_7 = arith.constant 0 : index
      %get3A_8 = arith.constant 0 : index
      %get3A_9 = vector.load %arg4[%get3A_6, %get3A_7, %get3A_8] : memref<1x768x1536xf32, #tpu.memory_space<vmem>>, vector<1x768x1536xf32>
      %get3A_10 = vector.shape_cast %get3A_9 : vector<1x768x1536xf32> to vector<768x1536xf32>
      %dot_general3A = arith.constant dense<0.000000e+00> : vector<128x1536xf32>
      %dot_general3A_11 = tpu.matmul %get3A_5, %get3A_10, %dot_general3A {dimension_numbers = #tpu.dot_dimension_numbers<[1], [0], [0], [1], [0, 0, 1, 1], [], []>, transpose_lhs_hint = false} : vector<128x768xf32>, vector<768x1536xf32>, vector<128x1536xf32> -> vector<128x1536xf32>
      %get3A_12 = arith.constant 0 : index
      %get3A_13 = arith.constant 0 : index
      %get3A_14 = arith.constant 0 : index
      %get3A_15 = vector.load %arg5[%get3A_12, %get3A_13, %get3A_14] : memref<1x1x1536xf32, #tpu.memory_space<vmem>>, vector<1x1x1536xf32>
      %get3A_16 = vector.shape_cast %get3A_15 : vector<1x1x1536xf32> to vector<1x1536xf32>
      %add3A = vector.broadcast %get3A_16 : vector<1x1536xf32> to vector<128x1536xf32>
      %add3A_17 = arith.addf %dot_general3A_11, %add3A : vector<128x1536xf32>
      %roll3A = arith.constant 1535 : i32
      %roll3A_18 = tpu.dynamic_rotate %add3A_17 by %roll3A dim 1 : vector<128x1536xf32>, i32 -> vector<128x1536xf32>
      %min3A = arith.constant 7.000000e+00 : f32
      %min3A_19 = vector.broadcast %min3A : f32 to vector<128x1536xf32>
      %min3A_20 = arith.minimumf %add3A_17, %min3A_19 : vector<128x1536xf32>
      %jit3A = arith.constant -7.000000e+00 : f32
      %jit3A_21 = arith.constant 7.000000e+00 : f32
      %max3A = vector.broadcast %jit3A : f32 to vector<128x1536xf32>
      %max3A_22 = arith.maximumf %max3A, %roll3A_18 : vector<128x1536xf32>
      %min3A_23 = vector.broadcast %jit3A_21 : f32 to vector<128x1536xf32>
      %min3A_24 = arith.minimumf %min3A_23, %max3A_22 : vector<128x1536xf32>
      %mul3A = arith.constant 1.702000e+00 : f32
      %mul3A_25 = vector.broadcast %mul3A : f32 to vector<128x1536xf32>
      %mul3A_26 = arith.mulf %mul3A_25, %min3A_20 : vector<128x1536xf32>
      %logistic3A = arith.negf %mul3A_26 : vector<128x1536xf32>
      %logistic3A_27 = math.exp %logistic3A : vector<128x1536xf32>
      %logistic3A_28 = arith.constant 1.000000e+00 : f32
      %logistic3A_29 = vector.broadcast %logistic3A_28 : f32 to vector<128x1536xf32>
      %logistic3A_30 = arith.addf %logistic3A_29, %logistic3A_27 : vector<128x1536xf32>
      %logistic3A_31 = arith.divf %logistic3A_29, %logistic3A_30 : vector<128x1536xf32>
      %mul3A_32 = arith.mulf %min3A_20, %logistic3A_31 : vector<128x1536xf32>
      %add3A_33 = arith.constant 1.000000e+00 : f32
      %add3A_34 = vector.broadcast %add3A_33 : f32 to vector<128x1536xf32>
      %add3A_35 = arith.addf %min3A_24, %add3A_34 : vector<128x1536xf32>
      %mul3A_36 = arith.mulf %mul3A_32, %add3A_35 : vector<128x1536xf32>
      %get3A_37 = arith.constant 0 : index
      %get3A_38 = arith.constant 0 : index
      %get3A_39 = vector.load %arg8[%get3A_37, %get3A_38] : memref<1536x768xf32, #tpu.memory_space<vmem>>, vector<1536x768xf32>
      %dot_general3A_40 = arith.constant dense<0.000000e+00> : vector<128x768xf32>
      %dot_general3A_41 = tpu.matmul %mul3A_36, %get3A_39, %dot_general3A_40 {dimension_numbers = #tpu.dot_dimension_numbers<[1], [0], [0], [1], [0, 0, 1, 1], [], []>, transpose_lhs_hint = false} : vector<128x1536xf32>, vector<1536x768xf32>, vector<128x768xf32> -> vector<128x768xf32>
      %get3A_42 = arith.constant 0 : index
      %get3A_43 = arith.constant 0 : index
      %get3A_44 = arith.constant 0 : index
      %get3A_45 = vector.load %arg6[%get3A_42, %get3A_43, %get3A_44] : memref<1x768x768xf32, #tpu.memory_space<vmem>>, vector<1x768x768xf32>
      %get3A_46 = vector.shape_cast %get3A_45 : vector<1x768x768xf32> to vector<768x768xf32>
      %dot_general3A_47 = arith.constant dense<0.000000e+00> : vector<128x768xf32>
      %dot_general3A_48 = tpu.matmul %dot_general3A_41, %get3A_46, %dot_general3A_47 {dimension_numbers = #tpu.dot_dimension_numbers<[1], [0], [0], [1], [0, 0, 1, 1], [], []>, transpose_lhs_hint = false} : vector<128x768xf32>, vector<768x768xf32>, vector<128x768xf32> -> vector<128x768xf32>
      %get3A_49 = arith.constant 0 : index
      %get3A_50 = arith.constant 0 : index
      %get3A_51 = arith.constant 0 : index
      %get3A_52 = vector.load %arg7[%get3A_49, %get3A_50, %get3A_51] : memref<1x1x768xf32, #tpu.memory_space<vmem>>, vector<1x1x768xf32>
      %get3A_53 = vector.shape_cast %get3A_52 : vector<1x1x768xf32> to vector<1x768xf32>
      %add3A_54 = vector.broadcast %get3A_53 : vector<1x768xf32> to vector<128x768xf32>
      %add3A_55 = arith.addf %dot_general3A_48, %add3A_54 : vector<128x768xf32>
      %swap3A = arith.constant 0 : index
      %swap3A_56 = arith.constant 0 : index
      %swap3A_57 = vector.load %arg9[%swap3A, %swap3A_56] : memref<128x768xf32, #tpu.memory_space<vmem>>, vector<128x768xf32>
      tpu.vector_store %arg9[%swap3A, %swap3A_56], %add3A_55 {strides = array<i32>} : memref<128x768xf32, #tpu.memory_space<vmem>>, vector<128x768xf32>,
    } else {
    }
    return
  }
  func.func @transform_0(%arg0: i32, %arg1: memref<96xi32, #tpu.memory_space<smem>>, %arg2: memref<96xi32, #tpu.memory_space<smem>>) -> (i32, i32) {
    %c0_i32 = arith.constant 0 : i32
    %c0_i32_0 = arith.constant 0 : i32
    return %arg0, %c0_i32 : i32, i32
  }
  func.func @transform_1(%arg0: i32, %arg1: memref<96xi32, #tpu.memory_space<smem>>, %arg2: memref<96xi32, #tpu.memory_space<smem>>) -> (i32, i32, i32) {
    %get3A = arith.index_cast %arg0 : i32 to index
    %get3A_0 = memref.load %arg1[%get3A] : memref<96xi32, #tpu.memory_space<smem>>
    %c0_i32 = arith.constant 0 : i32
    %c0_i32_1 = arith.constant 0 : i32
    %c0_i32_2 = arith.constant 0 : i32
    return %get3A_0, %c0_i32, %c0_i32_1 : i32, i32, i32
  }
  func.func @transform_2(%arg0: i32, %arg1: memref<96xi32, #tpu.memory_space<smem>>, %arg2: memref<96xi32, #tpu.memory_space<smem>>) -> (i32, i32, i32) {
    %get3A = arith.index_cast %arg0 : i32 to index
    %get3A_0 = memref.load %arg1[%get3A] : memref<96xi32, #tpu.memory_space<smem>>
    %c0_i32 = arith.constant 0 : i32
    %c0_i32_1 = arith.constant 0 : i32
    %c0_i32_2 = arith.constant 0 : i32
    return %get3A_0, %c0_i32, %c0_i32_1 : i32, i32, i32
  }
  func.func @transform_3(%arg0: i32, %arg1: memref<96xi32, #tpu.memory_space<smem>>, %arg2: memref<96xi32, #tpu.memory_space<smem>>) -> (i32, i32, i32) {
    %get3A = arith.index_cast %arg0 : i32 to index
    %get3A_0 = memref.load %arg1[%get3A] : memref<96xi32, #tpu.memory_space<smem>>
    %c0_i32 = arith.constant 0 : i32
    %c0_i32_1 = arith.constant 0 : i32
    %c0_i32_2 = arith.constant 0 : i32
    return %get3A_0, %c0_i32, %c0_i32_1 : i32, i32, i32
  }
  func.func @transform_4(%arg0: i32, %arg1: memref<96xi32, #tpu.memory_space<smem>>, %arg2: memref<96xi32, #tpu.memory_space<smem>>) -> (i32, i32, i32) {
    %get3A = arith.index_cast %arg0 : i32 to index
    %get3A_0 = memref.load %arg1[%get3A] : memref<96xi32, #tpu.memory_space<smem>>
    %c0_i32 = arith.constant 0 : i32
    %c0_i32_1 = arith.constant 0 : i32
    %c0_i32_2 = arith.constant 0 : i32
    return %get3A_0, %c0_i32, %c0_i32_1 : i32, i32, i32
  }
  func.func @transform_5(%arg0: i32, %arg1: memref<96xi32, #tpu.memory_space<smem>>, %arg2: memref<96xi32, #tpu.memory_space<smem>>) -> (i32, i32) {
    %c0_i32 = arith.constant 0 : i32
    %c0_i32_0 = arith.constant 0 : i32
    %c0_i32_1 = arith.constant 0 : i32
    return %c0_i32, %c0_i32_0 : i32, i32
  }
  func.func @transform_6(%arg0: i32, %arg1: memref<96xi32, #tpu.memory_space<smem>>, %arg2: memref<96xi32, #tpu.memory_space<smem>>) -> (i32, i32) {
    %c0_i32 = arith.constant 0 : i32
    %c0_i32_0 = arith.constant 0 : i32
    return %arg0, %c0_i32 : i32, i32
  }
}

module attributes {stable_mosaic.version = 14 : i64} {
  func.func @_combine_body(%arg0: i32, %arg1: memref<256x768xf32, #tpu.memory_space<vmem>>, %arg2: memref<256x1xf32, #tpu.memory_space<vmem>>, %arg3: memref<256x1xf32, #tpu.memory_space<vmem>>, %arg4: memref<256x768xf32, #tpu.memory_space<vmem>>, %arg5: memref<256x768xf32, #tpu.memory_space<vmem>>, %arg6: memref<256x768xf32, #tpu.memory_space<vmem>>) attributes {dimension_semantics = [#tpu.dimension_semantics<arbitrary>], iteration_bounds = array<i64: 8>, scalar_prefetch = 0 : i64, scratch_operands = 0 : i64, tpu.core_type = #tpu.core_type<tc>, window_params = [{transform_indices = @transform_0, window_bounds = array<i64: 256, 768>}, {transform_indices = @transform_1, window_bounds = array<i64: 256, 1>}, {transform_indices = @transform_2, window_bounds = array<i64: 256, 1>}, {transform_indices = @transform_3, window_bounds = array<i64: 256, 768>}, {transform_indices = @transform_4, window_bounds = array<i64: 256, 768>}, {transform_indices = @transform_5, window_bounds = array<i64: 256, 768>}]} {
    %get3A = arith.constant 0 : index
    %get3A_0 = arith.constant 0 : index
    %get3A_1 = vector.load %arg1[%get3A, %get3A_0] : memref<256x768xf32, #tpu.memory_space<vmem>>, vector<256x768xf32>
    %get3A_2 = arith.constant 0 : index
    %get3A_3 = arith.constant 0 : index
    %get3A_4 = vector.load %arg2[%get3A_2, %get3A_3] : memref<256x1xf32, #tpu.memory_space<vmem>>, vector<256x1xf32>
    %get3A_5 = arith.constant 0 : index
    %get3A_6 = arith.constant 0 : index
    %get3A_7 = vector.load %arg4[%get3A_5, %get3A_6] : memref<256x768xf32, #tpu.memory_space<vmem>>, vector<256x768xf32>
    %mul3A = vector.broadcast %get3A_4 : vector<256x1xf32> to vector<256x768xf32>
    %mul3A_8 = arith.mulf %mul3A, %get3A_7 : vector<256x768xf32>
    %add3A = arith.addf %get3A_1, %mul3A_8 : vector<256x768xf32>
    %get3A_9 = arith.constant 0 : index
    %get3A_10 = arith.constant 0 : index
    %get3A_11 = vector.load %arg3[%get3A_9, %get3A_10] : memref<256x1xf32, #tpu.memory_space<vmem>>, vector<256x1xf32>
    %get3A_12 = arith.constant 0 : index
    %get3A_13 = arith.constant 0 : index
    %get3A_14 = vector.load %arg5[%get3A_12, %get3A_13] : memref<256x768xf32, #tpu.memory_space<vmem>>, vector<256x768xf32>
    %mul3A_15 = vector.broadcast %get3A_11 : vector<256x1xf32> to vector<256x768xf32>
    %mul3A_16 = arith.mulf %mul3A_15, %get3A_14 : vector<256x768xf32>
    %add3A_17 = arith.addf %add3A, %mul3A_16 : vector<256x768xf32>
    %swap3A = arith.constant 0 : index
    %swap3A_18 = arith.constant 0 : index
    %swap3A_19 = vector.load %arg6[%swap3A, %swap3A_18] : memref<256x768xf32, #tpu.memory_space<vmem>>, vector<256x768xf32>
    tpu.vector_store %arg6[%swap3A, %swap3A_18], %add3A_17 {strides = array<i32>} : memref<256x768xf32, #tpu.memory_space<vmem>>, vector<256x768xf32>,
    return
  }
  func.func @transform_0(%arg0: i32) -> (i32, i32) {
    %c0_i32 = arith.constant 0 : i32
    %c0_i32_0 = arith.constant 0 : i32
    return %arg0, %c0_i32 : i32, i32
  }
  func.func @transform_1(%arg0: i32) -> (i32, i32) {
    %c0_i32 = arith.constant 0 : i32
    %c0_i32_0 = arith.constant 0 : i32
    return %arg0, %c0_i32 : i32, i32
  }
  func.func @transform_2(%arg0: i32) -> (i32, i32) {
    %c0_i32 = arith.constant 0 : i32
    %c0_i32_0 = arith.constant 0 : i32
    return %arg0, %c0_i32 : i32, i32
  }
  func.func @transform_3(%arg0: i32) -> (i32, i32) {
    %c0_i32 = arith.constant 0 : i32
    %c0_i32_0 = arith.constant 0 : i32
    return %arg0, %c0_i32 : i32, i32
  }
  func.func @transform_4(%arg0: i32) -> (i32, i32) {
    %c0_i32 = arith.constant 0 : i32
    %c0_i32_0 = arith.constant 0 : i32
    return %arg0, %c0_i32 : i32, i32
  }
  func.func @transform_5(%arg0: i32) -> (i32, i32) {
    %c0_i32 = arith.constant 0 : i32
    %c0_i32_0 = arith.constant 0 : i32
    return %arg0, %c0_i32 : i32, i32
  }
}

</mosaic_0001>

<sc_bundles>
// kernel: kernel.10.cloned.1.call-start
scs
__scs_entry_jumppad:
0x0: {  	(pc) =	sbr.rel $0x88, $3  }
0x1: {  	(tag) =	ssettag $0x0;
	lr =	simm.s32 $0x1  }
0x2: {  	[smem:$0x3F99] =	sst lr;
	_ =	strace $0xD0000000  }
0x3: {  	_ = 	snop  }
0x4: {  	_ = 	snop  }
0x5: {  	_ = 	snop  }
0x6: {  	_ = 	snop  }
0x7: {  	_ = 	snop  }
__scs_overlays_trampoline_lowered:
0x8: {  	[smem:$0x3FA8] =	sst s0  }
0x9: {  	[smem:$0x3FA9] =	sst s1  }
0xa: {  	[smem:$0x3FAA] =	sst s2  }
0xb: {  	[smem:$0x3FAB] =	sst s3  }
0xc: {  	[smem:$0x3FAC] =	sst s4  }
0xd: {  	[smem:$0x3FAD] =	sst s5  }
0xe: {  	[smem:$0x3FAE] =	sst s6  }
0xf: {  	[smem:$0x3FAF] =	sst s7  }
0x10: {  	[smem:$0x3FB0] =	sst s8  }
0x11: {  	[smem:$0x3FB1] =	sst s9;
	s0 =	simm.s32 @!p0 $0x0  }
0x12: {  	s1 =	sld [smem:$0x3F97];
	s0 =	simm.s32 @p0 $0x1  }
0x13: {  	[smem:$0x3FB2] =	sst s0;
	s0 =	simm.s32 @!p1 $0x0  }
0x14: {  	s2 =	sld [smem:$0x3F96];
	s0 =	simm.s32 @p1 $0x1  }
0x15: {  	[smem:$0x3FB3] =	sst s0;
	s0 =	simm.s32 @!p2 $0x0  }
0x16: {  	s3 =	sld [smem:$0x3FDB];
	s0 =	simm.s32 @p2 $0x1  }
0x17: {  	s4 =	simm.s32 $0x1BF5;
	[smem:$0x3FB5] =	sst s0  }
0x18: {  	s0 =	sld [smem:$0x3F98];
	_ =	swait.ge [sflag:s4], $0x0  }
0x19: {  	s7 =	sld [smem:$0x3F99]  }
0x1a: {  	s8 =	sadd.s32 $0xFFFFE003, lr  }
0x1b: {  	s9 =	sadd.s32 $0xFFFFFEF7, lr;
	s5 =	simm.s32 $0xFFFFFFFF;
	p2 =	slt.u32 s8, $0xFFFFF086  }
0x1c: {  	p1 =	slt.u32 s9, $0xF7A;
	s5 =	simm.s32 @!p2 $0x0  }
0x1d: {  	s5 =	simm.s32 @p1 $0x1;
	p0 =	seq.s32 s7, s2  }
0x1e: {  	s7 =	smul.u32 @!p0 $0xF7A, s2;
	p2 =	seq.s32 @!p0 s5, $0x0  }
0x1f: {  	s9 =	smul.u32 $0xF7A, s1;
	s8 =	simm.s32 @!p0 $0x1BF5;
	p2 =	por !p2, p0  }
0x20: {  	[sflag:s8] =	ssyncset.s32 @!p0 $0xFFFFF086;
	s6 =	sadd.s32 @!p0 s3, s7;
	s7 =	simm.s32 @!p0 $0x108  }
0x21: {  	s3 =	sadd.s32 s3, s9;
	s6 =	sadd.s32 @!p0 $0x88, s6;
	s7 =	simm.s32 @p2 $0x1082  }
0x22: {  	[simem:s7], [sflag:s8] =	dma.local @!p0 [hbm:s6], $0xF7A  }
0x23: {  	s9 =	sor.u32 $0xD0000000, s2;
	s6 =	simm.s32 $0x108;
	_ =	swait.ge @!p0 [sflag:s8], $0x0  }
0x24: {  	s3 =	sadd.s32 $0x88, s3;
	s6 =	simm.s32 @!p1 $0x1082;
	[sflag:s4] =	ssyncset.s32 $0xFFFFF086  }
0x25: {  	[simem:s6], [sflag:s4] =	dma.local [hbm:s3], $0xF7A  }
0x26: {  	[smem:$0x3F99] =	sst s1;
	(tag) =	ssettag s2;
	_ =	strace s9  }
0x27: {  	s1 =	sld [smem:$0x3FA9]  }
0x28: {  	s2 =	sld [smem:$0x3FAA]  }
0x29: {  	s4 =	sld [smem:$0x3FAC]  }
0x2a: {  	p0 =	seq.s32 s5, $0x0;
	s5 =	sld [smem:$0x3FAD]  }
0x2b: {  	s6 =	sld [smem:$0x3FAE]  }
0x2c: {  	s7 =	sld [smem:$0x3FAF]  }
0x2d: {  	s3 =	simm.s32 $0x108;
	s8 =	sld [smem:$0x3FB0]  }
0x2e: {  	s3 =	simm.s32 @!p0 $0x1082;
	s9 =	sld [smem:$0x3FB1]  }
0x2f: {  	lr =	sadd.s32 s0, s3;
	s0 =	sld [smem:$0x3FA8]  }
0x30: {  	s3 =	sld [smem:$0x3FAB]  }
0x31: {  	[smem:$0x3FB4] =	sst s10  }
0x32: {  	s10 =	sld [smem:$0x3FB2];
	_ =	sdelay $0x3  }
0x33: {  	p0 =	seq.s32 s10, $0x1;
	s10 =	sld [smem:$0x3FB4];
	_ =	sdelay $0x3  }
0x34: {  	[smem:$0x3FB4] =	sst s10  }
0x35: {  	s10 =	sld [smem:$0x3FB3];
	_ =	sdelay $0x3  }
0x36: {  	p1 =	seq.s32 s10, $0x1;
	s10 =	sld [smem:$0x3FB4];
	_ =	sdelay $0x3  }
0x37: {  	[smem:$0x3FB4] =	sst s10  }
0x38: {  	s10 =	sld [smem:$0x3FB5]  }
0x39: {  	_ = 	snop;
	(pc) =	sbr.ind lr, $3  }
0x3a: {  	_ = 	snop  }
0x3b: {  	_ = 	snop  }
0x3c: {  	p2 =	seq.s32 s10, $0x1;
	s10 =	sld [smem:$0x3FB4]  }
0x3d: {  	_ =	shalt  }
0x3e: {  	_ =	shalt  }
0x3f: {  	_ =	shalt  }
0x40: {  	_ =	shalt  }
0x41: {  	_ =	shalt  }
0x42: {  	_ =	shalt  }
0x43: {  	_ =	shalt  }
0x44: {  	_ =	shalt  }
0x45: {  	_ =	shalt  }
0x46: {  	_ =	shalt  }
0x47: {  	_ =	shalt  }
0x48: {  	_ =	shalt  }
0x49: {  	_ =	shalt  }
0x4a: {  	_ =	shalt  }
0x4b: {  	_ =	shalt  }
0x4c: {  	_ =	shalt  }
0x4d: {  	_ =	shalt  }
0x4e: {  	_ =	shalt  }
0x4f: {  	_ =	shalt  }
0x50: {  	_ =	shalt  }
0x51: {  	_ =	shalt  }
0x52: {  	_ =	shalt  }
0x53: {  	_ =	shalt  }
0x54: {  	_ =	shalt  }
0x55: {  	_ =	shalt  }
0x56: {  	_ =	shalt  }
0x57: {  	_ =	shalt  }
0x58: {  	_ =	shalt  }
0x59: {  	_ =	shalt  }
0x5a: {  	_ =	shalt  }
0x5b: {  	_ =	shalt  }
0x5c: {  	_ =	shalt  }
0x5d: {  	_ =	shalt  }
0x5e: {  	_ =	shalt  }
0x5f: {  	_ =	shalt  }
0x60: {  	_ =	shalt  }
0x61: {  	_ =	shalt  }
0x62: {  	_ =	shalt  }
0x63: {  	_ =	shalt  }
0x64: {  	_ =	shalt  }
0x65: {  	_ =	shalt  }
0x66: {  	_ =	shalt  }
0x67: {  	_ =	shalt  }
0x68: {  	_ =	shalt  }
0x69: {  	_ =	shalt  }
0x6a: {  	_ =	shalt  }
0x6b: {  	_ =	shalt  }
0x6c: {  	_ =	shalt  }
0x6d: {  	_ =	shalt  }
0x6e: {  	_ =	shalt  }
0x6f: {  	_ =	shalt  }
0x70: {  	_ =	shalt  }
0x71: {  	_ =	shalt  }
0x72: {  	_ =	shalt  }
0x73: {  	_ =	shalt  }
0x74: {  	_ =	shalt  }
0x75: {  	_ =	shalt  }
0x76: {  	_ =	shalt  }
0x77: {  	_ =	shalt  }
0x78: {  	_ =	shalt  }
0x79: {  	_ =	shalt  }
0x7a: {  	_ =	shalt  }
0x7b: {  	_ =	shalt  }
0x7c: {  	_ =	shalt  }
0x7d: {  	_ =	shalt  }
0x7e: {  	_ =	shalt  }
0x7f: {  	_ =	shalt  }
0x80: {  	_ =	shalt  }
0x81: {  	_ =	shalt  }
0x82: {  	_ =	shalt  }
0x83: {  	_ =	shalt  }
0x84: {  	_ =	shalt  }
0x85: {  	_ =	shalt  }
0x86: {  	_ =	shalt  }
0x87: {  	_ =	shalt  }
.Lfunc_end0:
.L_simem_size_0:
called_computation.1_lowered:
.L_overlay_start_0:
0x88: {  	s2 =	sld [smem:$0x3FD9]  }
0x89: {  	s3 =	sld [smem:$0x3FFE];
	_ =	sdelay $0x1  }
0x8a: {  	s1 =	srdreg.scid  }
0x8b: {  	s0 =	sand.u32 $0x1, s1  }
0x8c: {  	s17 =	sshll.u32 s0, $0xA;
	s2 =	sadd.s32 s3, s2  }
0x8d: {  	s2 =	sadd.s32 s2, s17  }
0x8e: {  	[smem:$0x3FC0] =	sst s2  }
0x8f: {  	_ = 	snop  }
0x90: {  	s2 =	sld [smem:$0x3FD0];
	(tm) =	ssettm $0x1  }
0x91: {  	s18 =	sld [smem:$0x3FFB];
	_ =	sdelay $0x3  }
0x92: {  	_ =	strace s18  }
0x93: {  	s3 =	sld [smem:$0x3FFC];
	_ =	sdelay $0x3  }
0x94: {  	_ =	strace s3  }
0x95: {  	s3 =	sld [smem:$0x3FFD];
	_ =	sdelay $0x3  }
0x96: {  	_ =	strace s3  }
0x97: {  	_ =	strace $0x8FFFFFFF  }
0x98: {  	s19 =	sld [smem:$0x3FDB];
	_ =	sdelay $0x1  }
0x99: {  	s4 =	simm.s32 $_scs_section_size  }
0x9a: {  	s5 =	simm.s32 $_size__tile_overlayer_lowered;
	s6 =	simm.s32 $_tile_overlayer_lowered  }
0x9b: {  	s22 =	simm.s32 $0x1BFF;
	s21 =	sshll.u32 s6, $0x1;
	s3 =	sadd.s32 s4, s19  }
0x9c: {  	s7 =	simm.s32 $0x0;
	s20 =	sshll.u32 s5, $0x1;
	s5 =	sadd.s32 s21, s3  }
0x9d: {  	[timem:s7], [sflag:s22] =	dma.local [hbm:s5], s20  }
0x9e: {  	_ =	swait.ge [sflag:s22], s20  }
0x9f: {  	s4 =	ssub.s32 $0x0, s20;
	[sflag:s22] =	ssyncset.done $0x0  }
0xa0: {  	[sflag:s22] =	ssyncadd.s32 s4;
	_ =	sdelay $0x1  }
0xa1: {  	s23 =	simm.s32 $0x1B8B  }
0xa2: {  	_ =	swait.ge [sflag:s23], $0x1  }
0xa3: {  	[sflag:s23] =	ssyncset.done $0x0  }
0xa4: {  	s25 =	simm.s32 $0x1B8E;
	s24 =	sld [smem:$0x3FFE];
	[sflag:s23] =	ssyncadd.s32 $0xFFFFFFFF  }
0xa5: {  	s26 =	simm.s32 $execute0_lowered;
	[smem:$0x3FD2] =	sst s25  }
0xa6: {  	s5 =	sshll.u32 s26, $0x1;
	_ =	strace $0x80000049;
	[dreg:$0x1] =	wrdreg $0xFFFFFFFF  }
0xa7: {  	s28 =	simm.s32 $_size_execute0_lowered;
	s3 =	sadd.s32 s3, s5;
	[dreg:$0x0] =	wrdreg $0x0  }
0xa8: {  	s5 =	sshll.u32 s28, $0x1;
	[dreg:$0x2] =	wrdreg s3  }
0xa9: {  	[dreg:$0x3] =	wrdreg s5  }
0xaa: {  	[dreg:$0x4] =	wrdreg $0xC0  }
0xab: {  	_ =	task [dreg:s7], $0x5FFFF  }
0xac: {  	[dreg:$0x1] =	wrdreg $0xFFFFFFFF  }
0xad: {  	[dreg:$0x0] =	wrdreg $0x60  }
0xae: {  	[dreg:$0x2] =	wrdreg s24  }
0xaf: {  	[dreg:$0x3] =	wrdreg s2  }
0xb0: {  	[dreg:$0x4] =	wrdreg $0x9  }
0xb1: {  	_ =	task.clear_ibuf [dreg:s7], $0x5FFFF;
	_ =	strace $0x90000049  }
0xb2: {  	s29 =	simm.s32 $0x9;
	_ =	strace $0x8000004B  }
0xb3: {  	_ =	swait.ge [sflag:s29], $0x1  }
0xb4: {  	[sflag:s29] =	ssyncadd.s32 $0xFFFFFFFF  }
0xb5: {  	_ =	strace $0x9000004B  }
0xb6: {  	_ =	sfence  }
0xb7: {  	s30 =	sld [smem:$0x0];
	_ =	sdelay $0x2  }
0xb8: {  	s31 =	sshll.u32 s1, $0xD;
	s1 =	sshrl.u32 s1, $0x2  }
0xb9: {  	s3 =	sand.u32 $0x4000, s31;
	s1 =	sadd.s32 s1, s30  }
0xba: {  	s0 =	sor.u32 s3, s0;
	s1 =	sshll.u32 s1, $0x11  }
0xbb: {  	s0 =	sor.u32 s1, s0  }
0xbc: {  	s0 =	sadd.s32 $0x8F2B, s0  }
0xbd: {  	[sflag:s0] =	ssyncadd.remote.s32 $0x1  }
0xbe: {  	_ =	sfence.sel $0xFFFF  }
0xbf: {  	[dreg:$0x0] =	wrdreg $0xFFFFFFFF;
	(pc) =	sbr.abs _section_cstart, $3  }
0xc0: {  	[dreg:$0x1] =	wrdreg $0xFFFFFFFF  }
0xc1: {  	_ =	task.clear_ibuf [dreg:s7], $0x2FFFF;
	_ =	strace $0x9FFFFFFF  }
0xc2: {  	(tm) =	ssettm $0x7FFFFFFF  }
0xc3: {  	_ =	shalt  }
tec
execute0_lowered:
.L_overlay_start_1:
0x0: {  	(tag) =	ssettag $0x1  }
0x1: {  	s1 =	srdreg.scid  }
0x2: {  	s5 =	rddreg [dreg:$0x0];
	s0 =	stileid.u32  }
0x3: {  	s4 =	rddreg [dreg:$0x1];
	s2 =	simm.s32 $0x0;
	s25 =	simm.s32 $0xC000  }
0x4: {  	s26 =	simm.s32 $0xC080;
	s10 =	simm.s32 $0x1800;
	s11 =	simm.s32 $0x2000  }
0x5: {  	s12 =	simm.s32 $0x2800;
	s13 =	simm.s32 $0x3000;
	s14 =	simm.s32 $0x3800  }
0x6: {  	s15 =	simm.s32 $0x4000;
	s16 =	simm.s32 $0x4800;
	s17 =	simm.s32 $0x5000  }
0x7: {  	s18 =	simm.s32 $0x5800;
	s19 =	simm.s32 $0x6000;
	s20 =	simm.s32 $0x6800  }
0x8: {  	s21 =	simm.s32 $0x7000;
	s22 =	simm.s32 $0x7800;
	s28 =	simm.s32 $0xA000  }
0x9: {  	s29 =	simm.s32 $0xA800;
	s30 =	simm.s32 $0xB000;
	s31 =	simm.s32 $0xB800  }
0xa: {  	s1 =	sand.u32 $0x1, s1;
	s3 =	sshll.u32 s0, $0x4;
	[smem:$0x7FF] =	sst s2  }
0xb: {  	s6 =	sshll.u32 s1, $0x3;
	_ =	strace $0x8000004A;
	[dreg:$0x7] =	wrdreg s25  }
0xc: {  	s1 =	ssub.s32 $0x2, s1;
	[dreg:$0x8] =	wrdreg s26;
	s25 =	simm.s32 $0x9000  }
0xd: {  	s26 =	simm.s32 $0x9800;
	s3 =	sor.u32 s6, s3;
	s23 =	sshrl.u32 s1, $0x1  }
0xe: {  	s6 =	smul.u32 $0x300, s3;
	s7 =	sadd.s32 s3, s5;
	s3 =	sadd.s32 $0x123800, s5  }
0xf: {  	s1 =	ssub.s32 s1, s23;
	s23 =	simm.s32 $0x8000;
	s9 =	sadd.s32 $0x3000, s7  }
0x10: {  	s7 =	sadd.s32 $0x3200, s7;
	s8 =	sadd.s32 s6, s5;
	[dreg:$0x3] =	wrdreg s9  }
0x11: {  	[dreg:$0x4] =	wrdreg s7;
	s4 =	sadd.s32 s4, s6;
	s6 =	smax.u32 s1, $0x1  }
0x12: {  	v2 =	vlaneseq.u32;
	s7 =	simm.s32 $0x2;
	s9 =	simm.s32 $0x1000;
	s1 =	simm.s32 $0x1  }
0x13: {  	vm0 =	vmmov $0xffff;
	v1 =	vshrl.u32 v2, $0x3;
	[dreg:$0x5] =	wrdreg s4;
	s24 =	sadd.s32 $0x3800, s8;
	s4 =	sadd.s32 $0x123900, s5  }
0x14: {  	v0 =	vand.u32 $0x7, v2;
	v2 =	vor.u32 $0x8, v2;
	v1 =	vmul.u32 $0x8, v1;
	s5 =	sadd.s32 $0x123A00, s5;
	[dreg:$0x6] =	wrdreg s24;
	s24 =	simm.s32 $0x8800  }
.LBB2_1:
0x15: {  	s0 =	rddreg [dreg:$0x3]  }
0x16: {  	s8 =	rddreg [dreg:$0x7]  }
0x17: {  	[tilespmem:s8], [sflag:$0x2] =	stream.linear.gather [hbm4b:s0+s2], $0x40, $0x38;
	[tilespmem:$0xC100] =	vst v63  }
0x18: {  	_ =	swait.ge [sflag:s7], $0x40  }
0x19: {  	s0 =	rddreg [dreg:$0x4];
	[sflag:s7] =	ssyncset.done $0x0  }
0x1a: {  	s8 =	rddreg [dreg:$0x8];
	[sflag:s7] =	ssyncadd.s32 $0xFFFFFFC0  }
0x1b: {  	[tilespmem:s8], [sflag:$0x2] =	stream.linear.gather [hbm4b:s0+s2], $0x40, $0x38;
	[tilespmem:$0xC100] =	vst v63  }
0x1c: {  	_ =	swait.ge [sflag:s7], $0x40  }
0x1d: {  	[sflag:s7] =	ssyncset.done $0x0  }
0x1e: {  	[sflag:s7] =	ssyncadd.s32 $0xFFFFFFC0  }
0x1f: {  	v3 =	vld [tilespmem:$0xC000];
	_ =	sdelay $0x4  }
0x20: {  	v4 =	vshrl.u32 v3, $0x3  }
0x21: {  	v4 =	vmul.u32 $0x30, v4  }
0x22: {  	v3 =	vand.u32 $0x7, v3  }
0x23: {  	v3 =	vor.u32 v3, v4  }
0x24: {  	v4 =	vperm.xlane v3, v0;
	_ =	sdelay $0x1  }
0x25: {  	v4 =	vadd.s32 v1, v4;
	_ =	sdelay $0x3  }
0x26: {  	v3 =	vperm.xlane v3, v2  }
0x27: {  	[tilespmem:s2], [sflag:$0x1] =	stream.indirect_vreg.gather [hbm4b:s3+s2], $0x80, v4, vm0, $0xb8;
	[tilespmem:$0xC100] =	vst v63  }
0x28: {  	s8 =	simm.s32 $0x800;
	v3 =	vadd.s32 v1, v3  }
0x29: {  	[tilespmem:s8], [sflag:$0x1] =	stream.indirect_vreg.gather [hbm4b:s4+s2], $0x80, v4, vm0, $0xb8;
	[tilespmem:$0xC100] =	vst v63  }
0x2a: {  	_ = 	snop  }
0x2b: {  	[tilespmem:s9], [sflag:$0x1] =	stream.indirect_vreg.gather [hbm4b:s5+s2], $0x80, v4, vm0, $0xb8;
	[tilespmem:$0xC100] =	vst v63  }
0x2c: {  	_ = 	snop  }
0x2d: {  	[tilespmem:s10], [sflag:$0x1] =	stream.indirect_vreg.gather [hbm4b:s3+s2], $0x80, v3, vm0, $0xb8;
	[tilespmem:$0xC100] =	vst v63  }
0x2e: {  	_ = 	snop  }
0x2f: {  	[tilespmem:s11], [sflag:$0x1] =	stream.indirect_vreg.gather [hbm4b:s4+s2], $0x80, v3, vm0, $0xb8;
	[tilespmem:$0xC100] =	vst v63  }
0x30: {  	_ = 	snop  }
0x31: {  	[tilespmem:s12], [sflag:$0x1] =	stream.indirect_vreg.gather [hbm4b:s5+s2], $0x80, v3, vm0, $0xb8;
	[tilespmem:$0xC100] =	vst v63  }
0x32: {  	v3 =	vld [tilespmem:$0xC010];
	_ =	sdelay $0x4  }
0x33: {  	v57 =	vshrl.u32 v3, $0x3  }
0x34: {  	v4 =	vmul.u32 $0x30, v57  }
0x35: {  	v3 =	vand.u32 $0x7, v3  }
0x36: {  	v3 =	vor.u32 v3, v4  }
0x37: {  	v4 =	vperm.xlane v3, v0;
	_ =	sdelay $0x1  }
0x38: {  	v4 =	vadd.s32 v1, v4;
	_ =	sdelay $0x3  }
0x39: {  	v3 =	vperm.xlane v3, v2  }
0x3a: {  	[tilespmem:s13], [sflag:$0x1] =	stream.indirect_vreg.gather [hbm4b:s3+s2], $0x80, v4, vm0, $0xb8;
	[tilespmem:$0xC100] =	vst v63  }
0x3b: {  	v3 =	vadd.s32 v1, v3  }
0x3c: {  	[tilespmem:s14], [sflag:$0x1] =	stream.indirect_vreg.gather [hbm4b:s4+s2], $0x80, v4, vm0, $0xb8;
	[tilespmem:$0xC100] =	vst v63  }
0x3d: {  	_ = 	snop  }
0x3e: {  	[tilespmem:s15], [sflag:$0x1] =	stream.indirect_vreg.gather [hbm4b:s5+s2], $0x80, v4, vm0, $0xb8;
	[tilespmem:$0xC100] =	vst v63  }
0x3f: {  	_ = 	snop  }
0x40: {  	[tilespmem:s16], [sflag:$0x1] =	stream.indirect_vreg.gather [hbm4b:s3+s2], $0x80, v3, vm0, $0xb8;
	[tilespmem:$0xC100] =	vst v63  }
0x41: {  	_ = 	snop  }
0x42: {  	[tilespmem:s17], [sflag:$0x1] =	stream.indirect_vreg.gather [hbm4b:s4+s2], $0x80, v3, vm0, $0xb8;
	[tilespmem:$0xC100] =	vst v63  }
0x43: {  	_ = 	snop  }
0x44: {  	[tilespmem:s18], [sflag:$0x1] =	stream.indirect_vreg.gather [hbm4b:s5+s2], $0x80, v3, vm0, $0xb8;
	[tilespmem:$0xC100] =	vst v63  }
0x45: {  	v3 =	vld [tilespmem:$0xC020];
	_ =	sdelay $0x4  }
0x46: {  	v58 =	vshrl.u32 v3, $0x3  }
0x47: {  	v4 =	vmul.u32 $0x30, v58  }
0x48: {  	v3 =	vand.u32 $0x7, v3  }
0x49: {  	v3 =	vor.u32 v3, v4  }
0x4a: {  	v4 =	vperm.xlane v3, v0;
	_ =	sdelay $0x1  }
0x4b: {  	v4 =	vadd.s32 v1, v4;
	_ =	sdelay $0x3  }
0x4c: {  	v3 =	vperm.xlane v3, v2  }
0x4d: {  	[tilespmem:s19], [sflag:$0x1] =	stream.indirect_vreg.gather [hbm4b:s3+s2], $0x80, v4, vm0, $0xb8;
	[tilespmem:$0xC100] =	vst v63  }
0x4e: {  	v3 =	vadd.s32 v1, v3  }
0x4f: {  	[tilespmem:s20], [sflag:$0x1] =	stream.indirect_vreg.gather [hbm4b:s4+s2], $0x80, v4, vm0, $0xb8;
	[tilespmem:$0xC100] =	vst v63  }
0x50: {  	_ = 	snop  }
0x51: {  	[tilespmem:s21], [sflag:$0x1] =	stream.indirect_vreg.gather [hbm4b:s5+s2], $0x80, v4, vm0, $0xb8;
	[tilespmem:$0xC100] =	vst v63  }
0x52: {  	_ = 	snop  }
0x53: {  	[tilespmem:s22], [sflag:$0x1] =	stream.indirect_vreg.gather [hbm4b:s3+s2], $0x80, v3, vm0, $0xb8;
	[tilespmem:$0xC100] =	vst v63  }
0x54: {  	_ = 	snop  }
0x55: {  	[tilespmem:s23], [sflag:$0x1] =	stream.indirect_vreg.gather [hbm4b:s4+s2], $0x80, v3, vm0, $0xb8;
	[tilespmem:$0xC100] =	vst v63  }
0x56: {  	_ = 	snop  }
0x57: {  	[tilespmem:s24], [sflag:$0x1] =	stream.indirect_vreg.gather [hbm4b:s5+s2], $0x80, v3, vm0, $0xb8;
	[tilespmem:$0xC100] =	vst v63  }
0x58: {  	v3 =	vld [tilespmem:$0xC030];
	_ =	sdelay $0x4  }
0x59: {  	v59 =	vshrl.u32 v3, $0x3  }
0x5a: {  	v4 =	vmul.u32 $0x30, v59  }
0x5b: {  	v3 =	vand.u32 $0x7, v3  }
0x5c: {  	v3 =	vor.u32 v3, v4  }
0x5d: {  	v4 =	vperm.xlane v3, v0;
	_ =	sdelay $0x1  }
0x5e: {  	v4 =	vadd.s32 v1, v4;
	_ =	sdelay $0x3  }
0x5f: {  	v3 =	vperm.xlane v3, v2  }
0x60: {  	[tilespmem:s25], [sflag:$0x1] =	stream.indirect_vreg.gather [hbm4b:s3+s2], $0x80, v4, vm0, $0xb8;
	[tilespmem:$0xC100] =	vst v63  }
0x61: {  	v3 =	vadd.s32 v1, v3  }
0x62: {  	[tilespmem:s26], [sflag:$0x1] =	stream.indirect_vreg.gather [hbm4b:s4+s2], $0x80, v4, vm0, $0xb8;
	[tilespmem:$0xC100] =	vst v63  }
0x63: {  	_ = 	snop  }
0x64: {  	[tilespmem:s28], [sflag:$0x1] =	stream.indirect_vreg.gather [hbm4b:s5+s2], $0x80, v4, vm0, $0xb8;
	[tilespmem:$0xC100] =	vst v63  }
0x65: {  	_ = 	snop  }
0x66: {  	[tilespmem:s29], [sflag:$0x1] =	stream.indirect_vreg.gather [hbm4b:s3+s2], $0x80, v3, vm0, $0xb8;
	[tilespmem:$0xC100] =	vst v63  }
0x67: {  	_ = 	snop  }
0x68: {  	[tilespmem:s30], [sflag:$0x1] =	stream.indirect_vreg.gather [hbm4b:s4+s2], $0x80, v3, vm0, $0xb8;
	[tilespmem:$0xC100] =	vst v63  }
0x69: {  	_ = 	snop  }
0x6a: {  	[tilespmem:s31], [sflag:$0x1] =	stream.indirect_vreg.gather [hbm4b:s5+s2], $0x80, v3, vm0, $0xb8;
	[tilespmem:$0xC100] =	vst v63  }
0x6b: {  	_ =	swait.ge [sflag:s1], $0xC000  }
0x6c: {  	[sflag:s1] =	ssyncset.done $0x0  }
0x6d: {  	s0 =	rddreg [dreg:$0x5];
	[sflag:s1] =	ssyncadd.s32 $0xFFFF4000  }
0x6e: {  	[hbm4b:s0+s2] =	stream.linear.scatter [tilespmem:s2], [sflag:$0x2], $0xC000, $0x38;
	[tilespmem:$0xC100] =	vst v63  }
0x6f: {  	_ =	swait.ge [sflag:s7], $0xC000  }
0x70: {  	[sflag:s7] =	ssyncset.done $0x0  }
0x71: {  	[sflag:s7] =	ssyncadd.s32 $0xFFFF4000  }
0x72: {  	v3 =	vld [tilespmem:$0xC080];
	_ =	sdelay $0x4  }
0x73: {  	v60 =	vshrl.u32 v3, $0x3  }
0x74: {  	v4 =	vmul.u32 $0x30, v60  }
0x75: {  	v3 =	vand.u32 $0x7, v3  }
0x76: {  	v3 =	vor.u32 v3, v4  }
0x77: {  	v4 =	vperm.xlane v3, v0;
	_ =	sdelay $0x1  }
0x78: {  	v4 =	vadd.s32 v1, v4;
	_ =	sdelay $0x3  }
0x79: {  	v3 =	vperm.xlane v3, v2  }
0x7a: {  	[tilespmem:s2], [sflag:$0x1] =	stream.indirect_vreg.gather [hbm4b:s3+s2], $0x80, v4, vm0, $0xb8;
	[tilespmem:$0xC100] =	vst v63  }
0x7b: {  	v3 =	vadd.s32 v1, v3  }
0x7c: {  	[tilespmem:s8], [sflag:$0x1] =	stream.indirect_vreg.gather [hbm4b:s4+s2], $0x80, v4, vm0, $0xb8;
	[tilespmem:$0xC100] =	vst v63  }
0x7d: {  	_ = 	snop  }
0x7e: {  	[tilespmem:s9], [sflag:$0x1] =	stream.indirect_vreg.gather [hbm4b:s5+s2], $0x80, v4, vm0, $0xb8;
	[tilespmem:$0xC100] =	vst v63  }
0x7f: {  	_ = 	snop  }
0x80: {  	[tilespmem:s10], [sflag:$0x1] =	stream.indirect_vreg.gather [hbm4b:s3+s2], $0x80, v3, vm0, $0xb8;
	[tilespmem:$0xC100] =	vst v63  }
0x81: {  	_ = 	snop  }
0x82: {  	[tilespmem:s11], [sflag:$0x1] =	stream.indirect_vreg.gather [hbm4b:s4+s2], $0x80, v3, vm0, $0xb8;
	[tilespmem:$0xC100] =	vst v63  }
0x83: {  	_ = 	snop  }
0x84: {  	[tilespmem:s12], [sflag:$0x1] =	stream.indirect_vreg.gather [hbm4b:s5+s2], $0x80, v3, vm0, $0xb8;
	[tilespmem:$0xC100] =	vst v63  }
0x85: {  	v3 =	vld [tilespmem:$0xC090];
	_ =	sdelay $0x4  }
0x86: {  	v61 =	vshrl.u32 v3, $0x3  }
0x87: {  	v4 =	vmul.u32 $0x30, v61  }
0x88: {  	v3 =	vand.u32 $0x7, v3  }
0x89: {  	v3 =	vor.u32 v3, v4  }
0x8a: {  	v4 =	vperm.xlane v3, v0;
	_ =	sdelay $0x1  }
0x8b: {  	v4 =	vadd.s32 v1, v4;
	_ =	sdelay $0x3  }
0x8c: {  	v3 =	vperm.xlane v3, v2  }
0x8d: {  	[tilespmem:s13], [sflag:$0x1] =	stream.indirect_vreg.gather [hbm4b:s3+s2], $0x80, v4, vm0, $0xb8;
	[tilespmem:$0xC100] =	vst v63  }
0x8e: {  	v3 =	vadd.s32 v1, v3  }
0x8f: {  	[tilespmem:s14], [sflag:$0x1] =	stream.indirect_vreg.gather [hbm4b:s4+s2], $0x80, v4, vm0, $0xb8;
	[tilespmem:$0xC100] =	vst v63  }
0x90: {  	_ = 	snop  }
0x91: {  	[tilespmem:s15], [sflag:$0x1] =	stream.indirect_vreg.gather [hbm4b:s5+s2], $0x80, v4, vm0, $0xb8;
	[tilespmem:$0xC100] =	vst v63  }
0x92: {  	_ = 	snop  }
0x93: {  	[tilespmem:s16], [sflag:$0x1] =	stream.indirect_vreg.gather [hbm4b:s3+s2], $0x80, v3, vm0, $0xb8;
	[tilespmem:$0xC100] =	vst v63  }
0x94: {  	_ = 	snop  }
0x95: {  	[tilespmem:s17], [sflag:$0x1] =	stream.indirect_vreg.gather [hbm4b:s4+s2], $0x80, v3, vm0, $0xb8;
	[tilespmem:$0xC100] =	vst v63  }
0x96: {  	_ = 	snop  }
0x97: {  	[tilespmem:s18], [sflag:$0x1] =	stream.indirect_vreg.gather [hbm4b:s5+s2], $0x80, v3, vm0, $0xb8;
	[tilespmem:$0xC100] =	vst v63  }
0x98: {  	v3 =	vld [tilespmem:$0xC0A0];
	_ =	sdelay $0x4  }
0x99: {  	v62 =	vshrl.u32 v3, $0x3  }
0x9a: {  	v4 =	vmul.u32 $0x30, v62  }
0x9b: {  	v3 =	vand.u32 $0x7, v3  }
0x9c: {  	v3 =	vor.u32 v3, v4  }
0x9d: {  	v4 =	vperm.xlane v3, v0;
	_ =	sdelay $0x1  }
0x9e: {  	v4 =	vadd.s32 v1, v4;
	_ =	sdelay $0x3  }
0x9f: {  	v3 =	vperm.xlane v3, v2  }
0xa0: {  	[tilespmem:s19], [sflag:$0x1] =	stream.indirect_vreg.gather [hbm4b:s3+s2], $0x80, v4, vm0, $0xb8;
	[tilespmem:$0xC100] =	vst v63  }
0xa1: {  	v3 =	vadd.s32 v1, v3  }
0xa2: {  	[tilespmem:s20], [sflag:$0x1] =	stream.indirect_vreg.gather [hbm4b:s4+s2], $0x80, v4, vm0, $0xb8;
	[tilespmem:$0xC100] =	vst v63  }
0xa3: {  	_ = 	snop  }
0xa4: {  	[tilespmem:s21], [sflag:$0x1] =	stream.indirect_vreg.gather [hbm4b:s5+s2], $0x80, v4, vm0, $0xb8;
	[tilespmem:$0xC100] =	vst v63  }
0xa5: {  	_ = 	snop  }
0xa6: {  	[tilespmem:s22], [sflag:$0x1] =	stream.indirect_vreg.gather [hbm4b:s3+s2], $0x80, v3, vm0, $0xb8;
	[tilespmem:$0xC100] =	vst v63  }
0xa7: {  	_ = 	snop  }
0xa8: {  	[tilespmem:s23], [sflag:$0x1] =	stream.indirect_vreg.gather [hbm4b:s4+s2], $0x80, v3, vm0, $0xb8;
	[tilespmem:$0xC100] =	vst v63  }
0xa9: {  	_ = 	snop  }
0xaa: {  	[tilespmem:s24], [sflag:$0x1] =	stream.indirect_vreg.gather [hbm4b:s5+s2], $0x80, v3, vm0, $0xb8;
	[tilespmem:$0xC100] =	vst v63  }
0xab: {  	v3 =	vld [tilespmem:$0xC0B0];
	_ =	sdelay $0x4  }
0xac: {  	v63 =	vshrl.u32 v3, $0x3  }
0xad: {  	v4 =	vmul.u32 $0x30, v63  }
0xae: {  	v3 =	vand.u32 $0x7, v3  }
0xaf: {  	v3 =	vor.u32 v3, v4  }
0xb0: {  	v4 =	vperm.xlane v3, v0;
	_ =	sdelay $0x1  }
0xb1: {  	v4 =	vadd.s32 v1, v4;
	_ =	sdelay $0x3  }
0xb2: {  	v3 =	vperm.xlane v3, v2  }
0xb3: {  	[tilespmem:s25], [sflag:$0x1] =	stream.indirect_vreg.gather [hbm4b:s3+s2], $0x80, v4, vm0, $0xb8;
	[tilespmem:$0xC100] =	vst v63  }
0xb4: {  	v3 =	vadd.s32 v1, v3  }
0xb5: {  	[tilespmem:s26], [sflag:$0x1] =	stream.indirect_vreg.gather [hbm4b:s4+s2], $0x80, v4, vm0, $0xb8;
	[tilespmem:$0xC100] =	vst v63  }
0xb6: {  	_ = 	snop  }
0xb7: {  	[tilespmem:s28], [sflag:$0x1] =	stream.indirect_vreg.gather [hbm4b:s5+s2], $0x80, v4, vm0, $0xb8;
	[tilespmem:$0xC100] =	vst v63  }
0xb8: {  	_ = 	snop  }
0xb9: {  	[tilespmem:s29], [sflag:$0x1] =	stream.indirect_vreg.gather [hbm4b:s3+s2], $0x80, v3, vm0, $0xb8;
	[tilespmem:$0xC100] =	vst v63  }
0xba: {  	_ = 	snop  }
0xbb: {  	[tilespmem:s30], [sflag:$0x1] =	stream.indirect_vreg.gather [hbm4b:s4+s2], $0x80, v3, vm0, $0xb8;
	[tilespmem:$0xC100] =	vst v63  }
0xbc: {  	_ = 	snop  }
0xbd: {  	[tilespmem:s31], [sflag:$0x1] =	stream.indirect_vreg.gather [hbm4b:s5+s2], $0x80, v3, vm0, $0xb8;
	[tilespmem:$0xC100] =	vst v63  }
0xbe: {  	_ =	swait.ge [sflag:s1], $0xC000  }
0xbf: {  	p0 =	sne.s32 s6, $0x1;
	[sflag:s1] =	ssyncset.done $0x0  }
.Ltmp0:
0xc0: {  	s8 =	rddreg [dreg:$0x6];
	[sflag:s1] =	ssyncadd.s32 $0xFFFF4000;
	(pc) =	sbr.rel @p0 .LBB2_1-.Ltmp0, $4  }
0xc1: {  	[hbm4b:s8+s2] =	stream.linear.scatter [tilespmem:s2], [sflag:$0x2], $0xC000, $0x38;
	[tilespmem:$0xC100] =	vst v63  }
0xc2: {  	_ =	swait.ge [sflag:s7], $0xC000  }
0xc3: {  	[sflag:s7] =	ssyncset.done $0x0  }
0xc4: {  	s6 =	sadd.s32 $0xFFFFFFFF, s6;
	[sflag:s7] =	ssyncadd.s32 $0xFFFF4000  }
0xc5: {  	_ =	sfence.sel $0x180000  }
0xc6: {  	[bflag:$0x0] =	sbarrier.arrive $0xFFFF  }
0xc7: {  	_ =	strace $0x9000004A  }
0xc8: {  	s0 =	stileid.u32;
	[bflag:$0x2] =	sbarrier.arrive $0xFFFF  }
0xc9: {  	p0 =	sne.s32 s0, $0x0;
	s0 =	rddreg [dreg:$0x2]  }
0xca: {  	s0 =	sadd.s32 @!p0 $0x100000, s0  }
0xcb: {  	[sflag:s0] =	ssyncadd.tile.s32 @!p0 $0x1;
	_ =	shalt  }
.Lfunc_end2:
_tile_overlayer_lowered:
.L_overlay_start_2:
0xcc: {  	(tag) =	ssettag $0x2  }
0xcd: {  	s0 =	rddreg [dreg:$0x0];
	s2 =	stileid.u32  }
0xce: {  	s1 =	rddreg [dreg:$0x1];
	p0 =	sne.s32 s2, $0x0  }
0xcf: {  	s3 =	rddreg [dreg:$0x2];
	[bflag:$0x3] =	sbarrier.arrive $0xFFFF;
	s2 =	simm.s32 @!p0 $0x1C02  }
0xd0: {  	[timem:s3], [sflag:s2] =	dma.local @!p0 [hbm:s0], s1  }
0xd1: {  	s0 =	simm.s32 @!p0 $0x2  }
0xd2: {  	_ =	swait.ge @!p0 [sflag:s0], s1  }
0xd3: {  	s1 =	ssub.s32 @!p0 $0x0, s1;
	[sflag:s0] =	ssyncset.done @!p0 $0x0  }
0xd4: {  	[sflag:s0] =	ssyncadd.s32 @!p0 s1  }
0xd5: {  	[bflag:$0x3] =	sbarrier.arrive $0xFFFF  }
0xd6: {  	_ =	shalt  }

// kernel: kernel.7.cloned.1.call-start
scs
__scs_entry_jumppad:
0x0: {  	(pc) =	sbr.rel $0x88, $3  }
0x1: {  	(tag) =	ssettag $0x0;
	lr =	simm.s32 $0x1  }
0x2: {  	[smem:$0x3F99] =	sst lr;
	_ =	strace $0xD0000000  }
0x3: {  	_ = 	snop  }
0x4: {  	_ = 	snop  }
0x5: {  	_ = 	snop  }
0x6: {  	_ = 	snop  }
0x7: {  	_ = 	snop  }
__scs_overlays_trampoline_lowered:
0x8: {  	[smem:$0x3FA8] =	sst s0  }
0x9: {  	[smem:$0x3FA9] =	sst s1  }
0xa: {  	[smem:$0x3FAA] =	sst s2  }
0xb: {  	[smem:$0x3FAB] =	sst s3  }
0xc: {  	[smem:$0x3FAC] =	sst s4  }
0xd: {  	[smem:$0x3FAD] =	sst s5  }
0xe: {  	[smem:$0x3FAE] =	sst s6  }
0xf: {  	[smem:$0x3FAF] =	sst s7  }
0x10: {  	[smem:$0x3FB0] =	sst s8  }
0x11: {  	[smem:$0x3FB1] =	sst s9;
	s0 =	simm.s32 @!p0 $0x0  }
0x12: {  	s1 =	sld [smem:$0x3F97];
	s0 =	simm.s32 @p0 $0x1  }
0x13: {  	[smem:$0x3FB2] =	sst s0;
	s0 =	simm.s32 @!p1 $0x0  }
0x14: {  	s2 =	sld [smem:$0x3F96];
	s0 =	simm.s32 @p1 $0x1  }
0x15: {  	[smem:$0x3FB3] =	sst s0;
	s0 =	simm.s32 @!p2 $0x0  }
0x16: {  	s3 =	sld [smem:$0x3FDB];
	s0 =	simm.s32 @p2 $0x1  }
0x17: {  	s4 =	simm.s32 $0x1BF5;
	[smem:$0x3FB5] =	sst s0  }
0x18: {  	s0 =	sld [smem:$0x3F98];
	_ =	swait.ge [sflag:s4], $0x0  }
0x19: {  	s7 =	sld [smem:$0x3F99]  }
0x1a: {  	s8 =	sadd.s32 $0xFFFFE003, lr  }
0x1b: {  	s9 =	sadd.s32 $0xFFFFFEF7, lr;
	s5 =	simm.s32 $0xFFFFFFFF;
	p2 =	slt.u32 s8, $0xFFFFF086  }
0x1c: {  	p1 =	slt.u32 s9, $0xF7A;
	s5 =	simm.s32 @!p2 $0x0  }
0x1d: {  	s5 =	simm.s32 @p1 $0x1;
	p0 =	seq.s32 s7, s2  }
0x1e: {  	s7 =	smul.u32 @!p0 $0xF7A, s2;
	p2 =	seq.s32 @!p0 s5, $0x0  }
0x1f: {  	s9 =	smul.u32 $0xF7A, s1;
	s8 =	simm.s32 @!p0 $0x1BF5;
	p2 =	por !p2, p0  }
0x20: {  	[sflag:s8] =	ssyncset.s32 @!p0 $0xFFFFF086;
	s6 =	sadd.s32 @!p0 s3, s7;
	s7 =	simm.s32 @!p0 $0x108  }
0x21: {  	s3 =	sadd.s32 s3, s9;
	s6 =	sadd.s32 @!p0 $0x88, s6;
	s7 =	simm.s32 @p2 $0x1082  }
0x22: {  	[simem:s7], [sflag:s8] =	dma.local @!p0 [hbm:s6], $0xF7A  }
0x23: {  	s9 =	sor.u32 $0xD0000000, s2;
	s6 =	simm.s32 $0x108;
	_ =	swait.ge @!p0 [sflag:s8], $0x0  }
0x24: {  	s3 =	sadd.s32 $0x88, s3;
	s6 =	simm.s32 @!p1 $0x1082;
	[sflag:s4] =	ssyncset.s32 $0xFFFFF086  }
0x25: {  	[simem:s6], [sflag:s4] =	dma.local [hbm:s3], $0xF7A  }
0x26: {  	[smem:$0x3F99] =	sst s1;
	(tag) =	ssettag s2;
	_ =	strace s9  }
0x27: {  	s1 =	sld [smem:$0x3FA9]  }
0x28: {  	s2 =	sld [smem:$0x3FAA]  }
0x29: {  	s4 =	sld [smem:$0x3FAC]  }
0x2a: {  	p0 =	seq.s32 s5, $0x0;
	s5 =	sld [smem:$0x3FAD]  }
0x2b: {  	s6 =	sld [smem:$0x3FAE]  }
0x2c: {  	s7 =	sld [smem:$0x3FAF]  }
0x2d: {  	s3 =	simm.s32 $0x108;
	s8 =	sld [smem:$0x3FB0]  }
0x2e: {  	s3 =	simm.s32 @!p0 $0x1082;
	s9 =	sld [smem:$0x3FB1]  }
0x2f: {  	lr =	sadd.s32 s0, s3;
	s0 =	sld [smem:$0x3FA8]  }
0x30: {  	s3 =	sld [smem:$0x3FAB]  }
0x31: {  	[smem:$0x3FB4] =	sst s10  }
0x32: {  	s10 =	sld [smem:$0x3FB2];
	_ =	sdelay $0x3  }
0x33: {  	p0 =	seq.s32 s10, $0x1;
	s10 =	sld [smem:$0x3FB4];
	_ =	sdelay $0x3  }
0x34: {  	[smem:$0x3FB4] =	sst s10  }
0x35: {  	s10 =	sld [smem:$0x3FB3];
	_ =	sdelay $0x3  }
0x36: {  	p1 =	seq.s32 s10, $0x1;
	s10 =	sld [smem:$0x3FB4];
	_ =	sdelay $0x3  }
0x37: {  	[smem:$0x3FB4] =	sst s10  }
0x38: {  	s10 =	sld [smem:$0x3FB5]  }
0x39: {  	_ = 	snop;
	(pc) =	sbr.ind lr, $3  }
0x3a: {  	_ = 	snop  }
0x3b: {  	_ = 	snop  }
0x3c: {  	p2 =	seq.s32 s10, $0x1;
	s10 =	sld [smem:$0x3FB4]  }
0x3d: {  	_ =	shalt  }
0x3e: {  	_ =	shalt  }
0x3f: {  	_ =	shalt  }
0x40: {  	_ =	shalt  }
0x41: {  	_ =	shalt  }
0x42: {  	_ =	shalt  }
0x43: {  	_ =	shalt  }
0x44: {  	_ =	shalt  }
0x45: {  	_ =	shalt  }
0x46: {  	_ =	shalt  }
0x47: {  	_ =	shalt  }
0x48: {  	_ =	shalt  }
0x49: {  	_ =	shalt  }
0x4a: {  	_ =	shalt  }
0x4b: {  	_ =	shalt  }
0x4c: {  	_ =	shalt  }
0x4d: {  	_ =	shalt  }
0x4e: {  	_ =	shalt  }
0x4f: {  	_ =	shalt  }
0x50: {  	_ =	shalt  }
0x51: {  	_ =	shalt  }
0x52: {  	_ =	shalt  }
0x53: {  	_ =	shalt  }
0x54: {  	_ =	shalt  }
0x55: {  	_ =	shalt  }
0x56: {  	_ =	shalt  }
0x57: {  	_ =	shalt  }
0x58: {  	_ =	shalt  }
0x59: {  	_ =	shalt  }
0x5a: {  	_ =	shalt  }
0x5b: {  	_ =	shalt  }
0x5c: {  	_ =	shalt  }
0x5d: {  	_ =	shalt  }
0x5e: {  	_ =	shalt  }
0x5f: {  	_ =	shalt  }
0x60: {  	_ =	shalt  }
0x61: {  	_ =	shalt  }
0x62: {  	_ =	shalt  }
0x63: {  	_ =	shalt  }
0x64: {  	_ =	shalt  }
0x65: {  	_ =	shalt  }
0x66: {  	_ =	shalt  }
0x67: {  	_ =	shalt  }
0x68: {  	_ =	shalt  }
0x69: {  	_ =	shalt  }
0x6a: {  	_ =	shalt  }
0x6b: {  	_ =	shalt  }
0x6c: {  	_ =	shalt  }
0x6d: {  	_ =	shalt  }
0x6e: {  	_ =	shalt  }
0x6f: {  	_ =	shalt  }
0x70: {  	_ =	shalt  }
0x71: {  	_ =	shalt  }
0x72: {  	_ =	shalt  }
0x73: {  	_ =	shalt  }
0x74: {  	_ =	shalt  }
0x75: {  	_ =	shalt  }
0x76: {  	_ =	shalt  }
0x77: {  	_ =	shalt  }
0x78: {  	_ =	shalt  }
0x79: {  	_ =	shalt  }
0x7a: {  	_ =	shalt  }
0x7b: {  	_ =	shalt  }
0x7c: {  	_ =	shalt  }
0x7d: {  	_ =	shalt  }
0x7e: {  	_ =	shalt  }
0x7f: {  	_ =	shalt  }
0x80: {  	_ =	shalt  }
0x81: {  	_ =	shalt  }
0x82: {  	_ =	shalt  }
0x83: {  	_ =	shalt  }
0x84: {  	_ =	shalt  }
0x85: {  	_ =	shalt  }
0x86: {  	_ =	shalt  }
0x87: {  	_ =	shalt  }
.Lfunc_end0:
.L_simem_size_0:
called_computation_lowered:
.L_overlay_start_0:
0x88: {  	s2 =	sld [smem:$0x3FD9]  }
0x89: {  	s3 =	sld [smem:$0x3FFE];
	_ =	sdelay $0x1  }
0x8a: {  	s1 =	srdreg.scid  }
0x8b: {  	s0 =	sand.u32 $0x1, s1  }
0x8c: {  	s17 =	sshll.u32 s0, $0xA;
	s2 =	sadd.s32 s3, s2  }
0x8d: {  	s2 =	sadd.s32 s2, s17  }
0x8e: {  	[smem:$0x3FC0] =	sst s2  }
0x8f: {  	_ = 	snop  }
0x90: {  	s2 =	sld [smem:$0x3FD0];
	(tm) =	ssettm $0x1  }
0x91: {  	s18 =	sld [smem:$0x3FFB];
	_ =	sdelay $0x3  }
0x92: {  	_ =	strace s18  }
0x93: {  	s3 =	sld [smem:$0x3FFC];
	_ =	sdelay $0x3  }
0x94: {  	_ =	strace s3  }
0x95: {  	s3 =	sld [smem:$0x3FFD];
	_ =	sdelay $0x3  }
0x96: {  	_ =	strace s3  }
0x97: {  	_ =	strace $0x8FFFFFFF  }
0x98: {  	s19 =	sld [smem:$0x3FDB];
	_ =	sdelay $0x1  }
0x99: {  	s4 =	simm.s32 $_scs_section_size  }
0x9a: {  	s5 =	simm.s32 $_size__tile_overlayer_lowered;
	s6 =	simm.s32 $_tile_overlayer_lowered  }
0x9b: {  	s22 =	simm.s32 $0x1BFF;
	s21 =	sshll.u32 s6, $0x1;
	s3 =	sadd.s32 s4, s19  }
0x9c: {  	s7 =	simm.s32 $0x0;
	s20 =	sshll.u32 s5, $0x1;
	s5 =	sadd.s32 s21, s3  }
0x9d: {  	[timem:s7], [sflag:s22] =	dma.local [hbm:s5], s20  }
0x9e: {  	_ =	swait.ge [sflag:s22], s20  }
0x9f: {  	s4 =	ssub.s32 $0x0, s20;
	[sflag:s22] =	ssyncset.done $0x0  }
0xa0: {  	[sflag:s22] =	ssyncadd.s32 s4;
	_ =	sdelay $0x1  }
0xa1: {  	s23 =	simm.s32 $0x1B8B  }
0xa2: {  	_ =	swait.ge [sflag:s23], $0x1  }
0xa3: {  	[sflag:s23] =	ssyncset.done $0x0  }
0xa4: {  	s25 =	simm.s32 $0x1B8E;
	s24 =	sld [smem:$0x3FFE];
	[sflag:s23] =	ssyncadd.s32 $0xFFFFFFFF  }
0xa5: {  	s26 =	simm.s32 $execute0_lowered;
	[smem:$0x3FD2] =	sst s25  }
0xa6: {  	s5 =	sshll.u32 s26, $0x1;
	_ =	strace $0x80000046;
	[dreg:$0x1] =	wrdreg $0xFFFFFFFF  }
0xa7: {  	s28 =	simm.s32 $_size_execute0_lowered;
	s3 =	sadd.s32 s3, s5;
	[dreg:$0x0] =	wrdreg $0x0  }
0xa8: {  	s5 =	sshll.u32 s28, $0x1;
	[dreg:$0x2] =	wrdreg s3  }
0xa9: {  	[dreg:$0x3] =	wrdreg s5  }
0xaa: {  	[dreg:$0x4] =	wrdreg $0xC0  }
0xab: {  	_ =	task [dreg:s7], $0x5FFFF  }
0xac: {  	[dreg:$0x1] =	wrdreg $0xFFFFFFFF  }
0xad: {  	[dreg:$0x0] =	wrdreg $0x60  }
0xae: {  	[dreg:$0x2] =	wrdreg s2  }
0xaf: {  	[dreg:$0x3] =	wrdreg s24  }
0xb0: {  	[dreg:$0x4] =	wrdreg $0x9  }
0xb1: {  	_ =	task.clear_ibuf [dreg:s7], $0x5FFFF;
	_ =	strace $0x90000046  }
0xb2: {  	s29 =	simm.s32 $0x9;
	_ =	strace $0x80000048  }
0xb3: {  	_ =	swait.ge [sflag:s29], $0x1  }
0xb4: {  	[sflag:s29] =	ssyncadd.s32 $0xFFFFFFFF  }
0xb5: {  	_ =	strace $0x90000048  }
0xb6: {  	_ =	sfence  }
0xb7: {  	s30 =	sld [smem:$0x0];
	_ =	sdelay $0x2  }
0xb8: {  	s31 =	sshll.u32 s1, $0xD;
	s1 =	sshrl.u32 s1, $0x2  }
0xb9: {  	s3 =	sand.u32 $0x4000, s31;
	s1 =	sadd.s32 s1, s30  }
0xba: {  	s0 =	sor.u32 s3, s0;
	s1 =	sshll.u32 s1, $0x11  }
0xbb: {  	s0 =	sor.u32 s1, s0  }
0xbc: {  	s0 =	sadd.s32 $0x8F2B, s0  }
0xbd: {  	[sflag:s0] =	ssyncadd.remote.s32 $0x1  }
0xbe: {  	_ =	sfence.sel $0xFFFF  }
0xbf: {  	[dreg:$0x0] =	wrdreg $0xFFFFFFFF;
	(pc) =	sbr.abs _section_cstart, $3  }
0xc0: {  	[dreg:$0x1] =	wrdreg $0xFFFFFFFF  }
0xc1: {  	_ =	task.clear_ibuf [dreg:s7], $0x2FFFF;
	_ =	strace $0x9FFFFFFF  }
0xc2: {  	(tm) =	ssettm $0x7FFFFFFF  }
0xc3: {  	_ =	shalt  }
tec
execute0_lowered:
.L_overlay_start_1:
0x0: {  	(tag) =	ssettag $0x1  }
0x1: {  	s1 =	srdreg.scid  }
0x2: {  	s4 =	rddreg [dreg:$0x0];
	s0 =	stileid.u32  }
0x3: {  	s5 =	rddreg [dreg:$0x1];
	s2 =	simm.s32 $0x0;
	s26 =	simm.s32 $0xC000  }
0x4: {  	s8 =	simm.s32 $0xC080;
	s9 =	simm.s32 $0x1000;
	s10 =	simm.s32 $0x1800  }
0x5: {  	s11 =	simm.s32 $0x2000;
	s12 =	simm.s32 $0x2800;
	s13 =	simm.s32 $0x3000  }
0x6: {  	s14 =	simm.s32 $0x3800;
	s15 =	simm.s32 $0x4000;
	s16 =	simm.s32 $0x4800  }
0x7: {  	s17 =	simm.s32 $0x5000;
	s18 =	simm.s32 $0x5800;
	s19 =	simm.s32 $0x6000  }
0x8: {  	s20 =	simm.s32 $0x6800;
	s21 =	simm.s32 $0x7000;
	s22 =	simm.s32 $0x7800  }
0x9: {  	s28 =	simm.s32 $0xA000;
	s29 =	simm.s32 $0xA800;
	s30 =	simm.s32 $0xB000  }
0xa: {  	s31 =	simm.s32 $0xB800;
	s1 =	sand.u32 $0x1, s1;
	[smem:$0x7FF] =	sst s2  }
0xb: {  	s3 =	sshll.u32 s0, $0x4;
	_ =	strace $0x80000047;
	[dreg:$0x6] =	wrdreg s26  }
0xc: {  	s6 =	sshll.u32 s1, $0x3;
	s1 =	ssub.s32 $0x2, s1;
	[dreg:$0x7] =	wrdreg s8  }
0xd: {  	s26 =	simm.s32 $0x9800;
	s3 =	sor.u32 s6, s3;
	s23 =	sshrl.u32 s1, $0x1  }
0xe: {  	s6 =	smul.u32 $0x300, s3;
	s7 =	sadd.s32 s3, s5;
	s3 =	sadd.s32 $0x3800, s5  }
0xf: {  	s1 =	ssub.s32 s1, s23;
	s23 =	simm.s32 $0x8000;
	s24 =	sadd.s32 $0x3000, s7  }
0x10: {  	s25 =	sadd.s32 $0x3200, s7;
	s7 =	simm.s32 $0x2;
	[dreg:$0x4] =	wrdreg s24  }
0x11: {  	v2 =	vlaneseq.u32;
	s4 =	sadd.s32 s4, s6;
	[dreg:$0x5] =	wrdreg s25;
	s6 =	smax.u32 s1, $0x1  }
0x12: {  	vm0 =	vmmov $0xffff;
	v1 =	vshrl.u32 v2, $0x3;
	s24 =	simm.s32 $0x8800;
	s25 =	simm.s32 $0x9000;
	s1 =	simm.s32 $0x1  }
0x13: {  	v0 =	vand.u32 $0x7, v2;
	v2 =	vor.u32 $0x8, v2;
	v1 =	vmul.u32 $0x8, v1;
	[dreg:$0x3] =	wrdreg s4;
	s4 =	sadd.s32 $0x3900, s5;
	s5 =	sadd.s32 $0x3A00, s5  }
.LBB2_1:
0x14: {  	s0 =	rddreg [dreg:$0x3]  }
0x15: {  	[tilespmem:s2], [sflag:$0x2] =	stream.linear.gather [hbm4b:s0+s2], $0xC000, $0x38;
	[tilespmem:$0xC100] =	vst v63  }
0x16: {  	_ =	swait.ge [sflag:s7], $0xC000  }
0x17: {  	s0 =	rddreg [dreg:$0x4];
	[sflag:s7] =	ssyncset.done $0x0  }
0x18: {  	s8 =	rddreg [dreg:$0x6];
	[sflag:s7] =	ssyncadd.s32 $0xFFFF4000  }
0x19: {  	[tilespmem:s8], [sflag:$0x2] =	stream.linear.gather [hbm4b:s0+s2], $0x40, $0x38;
	[tilespmem:$0xC100] =	vst v63  }
0x1a: {  	_ =	swait.ge [sflag:s7], $0x40  }
0x1b: {  	s0 =	rddreg [dreg:$0x5];
	[sflag:s7] =	ssyncset.done $0x0  }
0x1c: {  	s8 =	rddreg [dreg:$0x7];
	[sflag:s7] =	ssyncadd.s32 $0xFFFFFFC0  }
0x1d: {  	[tilespmem:s8], [sflag:$0x2] =	stream.linear.gather [hbm4b:s0+s2], $0x40, $0x38;
	[tilespmem:$0xC100] =	vst v63  }
0x1e: {  	_ =	swait.ge [sflag:s7], $0x40  }
0x1f: {  	[sflag:s7] =	ssyncset.done $0x0  }
0x20: {  	[sflag:s7] =	ssyncadd.s32 $0xFFFFFFC0  }
0x21: {  	v3 =	vld [tilespmem:$0xC000];
	_ =	sdelay $0x4  }
0x22: {  	v4 =	vshrl.u32 v3, $0x3  }
0x23: {  	v4 =	vmul.u32 $0x30, v4  }
0x24: {  	v3 =	vand.u32 $0x7, v3  }
0x25: {  	v3 =	vor.u32 v3, v4  }
0x26: {  	v4 =	vperm.xlane v3, v0;
	_ =	sdelay $0x1  }
0x27: {  	v4 =	vadd.s32 v1, v4;
	_ =	sdelay $0x3  }
0x28: {  	v3 =	vperm.xlane v3, v2  }
0x29: {  	[hbm4b:s3+s2] =	stream.indirect_vreg.scatter [tilespmem:s2], [sflag:$0x1], $0x80, v4, vm0, $0xb8;
	[tilespmem:$0xC100] =	vst v63  }
0x2a: {  	s8 =	simm.s32 $0x800;
	v3 =	vadd.s32 v1, v3  }
0x2b: {  	[hbm4b:s4+s2] =	stream.indirect_vreg.scatter [tilespmem:s8], [sflag:$0x1], $0x80, v4, vm0, $0xb8;
	[tilespmem:$0xC100] =	vst v63  }
0x2c: {  	_ = 	snop  }
0x2d: {  	[hbm4b:s5+s2] =	stream.indirect_vreg.scatter [tilespmem:s9], [sflag:$0x1], $0x80, v4, vm0, $0xb8;
	[tilespmem:$0xC100] =	vst v63  }
0x2e: {  	_ = 	snop  }
0x2f: {  	[hbm4b:s3+s2] =	stream.indirect_vreg.scatter [tilespmem:s10], [sflag:$0x1], $0x80, v3, vm0, $0xb8;
	[tilespmem:$0xC100] =	vst v63  }
0x30: {  	_ = 	snop  }
0x31: {  	[hbm4b:s4+s2] =	stream.indirect_vreg.scatter [tilespmem:s11], [sflag:$0x1], $0x80, v3, vm0, $0xb8;
	[tilespmem:$0xC100] =	vst v63  }
0x32: {  	_ = 	snop  }
0x33: {  	[hbm4b:s5+s2] =	stream.indirect_vreg.scatter [tilespmem:s12], [sflag:$0x1], $0x80, v3, vm0, $0xb8;
	[tilespmem:$0xC100] =	vst v63  }
0x34: {  	v3 =	vld [tilespmem:$0xC010];
	_ =	sdelay $0x4  }
0x35: {  	v57 =	vshrl.u32 v3, $0x3  }
0x36: {  	v4 =	vmul.u32 $0x30, v57  }
0x37: {  	v3 =	vand.u32 $0x7, v3  }
0x38: {  	v3 =	vor.u32 v3, v4  }
0x39: {  	v4 =	vperm.xlane v3, v0;
	_ =	sdelay $0x1  }
0x3a: {  	v4 =	vadd.s32 v1, v4;
	_ =	sdelay $0x3  }
0x3b: {  	v3 =	vperm.xlane v3, v2  }
0x3c: {  	[hbm4b:s3+s2] =	stream.indirect_vreg.scatter [tilespmem:s13], [sflag:$0x1], $0x80, v4, vm0, $0xb8;
	[tilespmem:$0xC100] =	vst v63  }
0x3d: {  	v3 =	vadd.s32 v1, v3  }
0x3e: {  	[hbm4b:s4+s2] =	stream.indirect_vreg.scatter [tilespmem:s14], [sflag:$0x1], $0x80, v4, vm0, $0xb8;
	[tilespmem:$0xC100] =	vst v63  }
0x3f: {  	_ = 	snop  }
0x40: {  	[hbm4b:s5+s2] =	stream.indirect_vreg.scatter [tilespmem:s15], [sflag:$0x1], $0x80, v4, vm0, $0xb8;
	[tilespmem:$0xC100] =	vst v63  }
0x41: {  	_ = 	snop  }
0x42: {  	[hbm4b:s3+s2] =	stream.indirect_vreg.scatter [tilespmem:s16], [sflag:$0x1], $0x80, v3, vm0, $0xb8;
	[tilespmem:$0xC100] =	vst v63  }
0x43: {  	_ = 	snop  }
0x44: {  	[hbm4b:s4+s2] =	stream.indirect_vreg.scatter [tilespmem:s17], [sflag:$0x1], $0x80, v3, vm0, $0xb8;
	[tilespmem:$0xC100] =	vst v63  }
0x45: {  	_ = 	snop  }
0x46: {  	[hbm4b:s5+s2] =	stream.indirect_vreg.scatter [tilespmem:s18], [sflag:$0x1], $0x80, v3, vm0, $0xb8;
	[tilespmem:$0xC100] =	vst v63  }
0x47: {  	v3 =	vld [tilespmem:$0xC020];
	_ =	sdelay $0x4  }
0x48: {  	v58 =	vshrl.u32 v3, $0x3  }
0x49: {  	v4 =	vmul.u32 $0x30, v58  }
0x4a: {  	v3 =	vand.u32 $0x7, v3  }
0x4b: {  	v3 =	vor.u32 v3, v4  }
0x4c: {  	v4 =	vperm.xlane v3, v0;
	_ =	sdelay $0x1  }
0x4d: {  	v4 =	vadd.s32 v1, v4;
	_ =	sdelay $0x3  }
0x4e: {  	v3 =	vperm.xlane v3, v2  }
0x4f: {  	[hbm4b:s3+s2] =	stream.indirect_vreg.scatter [tilespmem:s19], [sflag:$0x1], $0x80, v4, vm0, $0xb8;
	[tilespmem:$0xC100] =	vst v63  }
0x50: {  	v3 =	vadd.s32 v1, v3  }
0x51: {  	[hbm4b:s4+s2] =	stream.indirect_vreg.scatter [tilespmem:s20], [sflag:$0x1], $0x80, v4, vm0, $0xb8;
	[tilespmem:$0xC100] =	vst v63  }
0x52: {  	_ = 	snop  }
0x53: {  	[hbm4b:s5+s2] =	stream.indirect_vreg.scatter [tilespmem:s21], [sflag:$0x1], $0x80, v4, vm0, $0xb8;
	[tilespmem:$0xC100] =	vst v63  }
0x54: {  	_ = 	snop  }
0x55: {  	[hbm4b:s3+s2] =	stream.indirect_vreg.scatter [tilespmem:s22], [sflag:$0x1], $0x80, v3, vm0, $0xb8;
	[tilespmem:$0xC100] =	vst v63  }
0x56: {  	_ = 	snop  }
0x57: {  	[hbm4b:s4+s2] =	stream.indirect_vreg.scatter [tilespmem:s23], [sflag:$0x1], $0x80, v3, vm0, $0xb8;
	[tilespmem:$0xC100] =	vst v63  }
0x58: {  	_ = 	snop  }
0x59: {  	[hbm4b:s5+s2] =	stream.indirect_vreg.scatter [tilespmem:s24], [sflag:$0x1], $0x80, v3, vm0, $0xb8;
	[tilespmem:$0xC100] =	vst v63  }
0x5a: {  	v3 =	vld [tilespmem:$0xC030];
	_ =	sdelay $0x4  }
0x5b: {  	v59 =	vshrl.u32 v3, $0x3  }
0x5c: {  	v4 =	vmul.u32 $0x30, v59  }
0x5d: {  	v3 =	vand.u32 $0x7, v3  }
0x5e: {  	v3 =	vor.u32 v3, v4  }
0x5f: {  	v4 =	vperm.xlane v3, v0;
	_ =	sdelay $0x1  }
0x60: {  	v4 =	vadd.s32 v1, v4;
	_ =	sdelay $0x3  }
0x61: {  	v3 =	vperm.xlane v3, v2  }
0x62: {  	[hbm4b:s3+s2] =	stream.indirect_vreg.scatter [tilespmem:s25], [sflag:$0x1], $0x80, v4, vm0, $0xb8;
	[tilespmem:$0xC100] =	vst v63  }
0x63: {  	v3 =	vadd.s32 v1, v3  }
0x64: {  	[hbm4b:s4+s2] =	stream.indirect_vreg.scatter [tilespmem:s26], [sflag:$0x1], $0x80, v4, vm0, $0xb8;
	[tilespmem:$0xC100] =	vst v63  }
0x65: {  	_ = 	snop  }
0x66: {  	[hbm4b:s5+s2] =	stream.indirect_vreg.scatter [tilespmem:s28], [sflag:$0x1], $0x80, v4, vm0, $0xb8;
	[tilespmem:$0xC100] =	vst v63  }
0x67: {  	_ = 	snop  }
0x68: {  	[hbm4b:s3+s2] =	stream.indirect_vreg.scatter [tilespmem:s29], [sflag:$0x1], $0x80, v3, vm0, $0xb8;
	[tilespmem:$0xC100] =	vst v63  }
0x69: {  	_ = 	snop  }
0x6a: {  	[hbm4b:s4+s2] =	stream.indirect_vreg.scatter [tilespmem:s30], [sflag:$0x1], $0x80, v3, vm0, $0xb8;
	[tilespmem:$0xC100] =	vst v63  }
0x6b: {  	_ = 	snop  }
0x6c: {  	[hbm4b:s5+s2] =	stream.indirect_vreg.scatter [tilespmem:s31], [sflag:$0x1], $0x80, v3, vm0, $0xb8;
	[tilespmem:$0xC100] =	vst v63  }
0x6d: {  	_ =	swait.ge [sflag:s1], $0xC000  }
0x6e: {  	[sflag:s1] =	ssyncset.done $0x0  }
0x6f: {  	[sflag:s1] =	ssyncadd.s32 $0xFFFF4000  }
0x70: {  	v3 =	vld [tilespmem:$0xC080];
	_ =	sdelay $0x4  }
0x71: {  	v60 =	vshrl.u32 v3, $0x3  }
0x72: {  	v4 =	vmul.u32 $0x30, v60  }
0x73: {  	v3 =	vand.u32 $0x7, v3  }
0x74: {  	v3 =	vor.u32 v3, v4  }
0x75: {  	v4 =	vperm.xlane v3, v0;
	_ =	sdelay $0x1  }
0x76: {  	v4 =	vadd.s32 v1, v4;
	_ =	sdelay $0x3  }
0x77: {  	v3 =	vperm.xlane v3, v2  }
0x78: {  	[hbm4b:s3+s2] =	stream.indirect_vreg.scatter [tilespmem:s2], [sflag:$0x1], $0x80, v4, vm0, $0xb8;
	[tilespmem:$0xC100] =	vst v63  }
0x79: {  	v3 =	vadd.s32 v1, v3  }
0x7a: {  	[hbm4b:s4+s2] =	stream.indirect_vreg.scatter [tilespmem:s8], [sflag:$0x1], $0x80, v4, vm0, $0xb8;
	[tilespmem:$0xC100] =	vst v63  }
0x7b: {  	_ = 	snop  }
0x7c: {  	[hbm4b:s5+s2] =	stream.indirect_vreg.scatter [tilespmem:s9], [sflag:$0x1], $0x80, v4, vm0, $0xb8;
	[tilespmem:$0xC100] =	vst v63  }
0x7d: {  	_ = 	snop  }
0x7e: {  	[hbm4b:s3+s2] =	stream.indirect_vreg.scatter [tilespmem:s10], [sflag:$0x1], $0x80, v3, vm0, $0xb8;
	[tilespmem:$0xC100] =	vst v63  }
0x7f: {  	_ = 	snop  }
0x80: {  	[hbm4b:s4+s2] =	stream.indirect_vreg.scatter [tilespmem:s11], [sflag:$0x1], $0x80, v3, vm0, $0xb8;
	[tilespmem:$0xC100] =	vst v63  }
0x81: {  	_ = 	snop  }
0x82: {  	[hbm4b:s5+s2] =	stream.indirect_vreg.scatter [tilespmem:s12], [sflag:$0x1], $0x80, v3, vm0, $0xb8;
	[tilespmem:$0xC100] =	vst v63  }
0x83: {  	v3 =	vld [tilespmem:$0xC090];
	_ =	sdelay $0x4  }
0x84: {  	v61 =	vshrl.u32 v3, $0x3  }
0x85: {  	v4 =	vmul.u32 $0x30, v61  }
0x86: {  	v3 =	vand.u32 $0x7, v3  }
0x87: {  	v3 =	vor.u32 v3, v4  }
0x88: {  	v4 =	vperm.xlane v3, v0;
	_ =	sdelay $0x1  }
0x89: {  	v4 =	vadd.s32 v1, v4;
	_ =	sdelay $0x3  }
0x8a: {  	v3 =	vperm.xlane v3, v2  }
0x8b: {  	[hbm4b:s3+s2] =	stream.indirect_vreg.scatter [tilespmem:s13], [sflag:$0x1], $0x80, v4, vm0, $0xb8;
	[tilespmem:$0xC100] =	vst v63  }
0x8c: {  	v3 =	vadd.s32 v1, v3  }
0x8d: {  	[hbm4b:s4+s2] =	stream.indirect_vreg.scatter [tilespmem:s14], [sflag:$0x1], $0x80, v4, vm0, $0xb8;
	[tilespmem:$0xC100] =	vst v63  }
0x8e: {  	_ = 	snop  }
0x8f: {  	[hbm4b:s5+s2] =	stream.indirect_vreg.scatter [tilespmem:s15], [sflag:$0x1], $0x80, v4, vm0, $0xb8;
	[tilespmem:$0xC100] =	vst v63  }
0x90: {  	_ = 	snop  }
0x91: {  	[hbm4b:s3+s2] =	stream.indirect_vreg.scatter [tilespmem:s16], [sflag:$0x1], $0x80, v3, vm0, $0xb8;
	[tilespmem:$0xC100] =	vst v63  }
0x92: {  	_ = 	snop  }
0x93: {  	[hbm4b:s4+s2] =	stream.indirect_vreg.scatter [tilespmem:s17], [sflag:$0x1], $0x80, v3, vm0, $0xb8;
	[tilespmem:$0xC100] =	vst v63  }
0x94: {  	_ = 	snop  }
0x95: {  	[hbm4b:s5+s2] =	stream.indirect_vreg.scatter [tilespmem:s18], [sflag:$0x1], $0x80, v3, vm0, $0xb8;
	[tilespmem:$0xC100] =	vst v63  }
0x96: {  	v3 =	vld [tilespmem:$0xC0A0];
	_ =	sdelay $0x4  }
0x97: {  	v62 =	vshrl.u32 v3, $0x3  }
0x98: {  	v4 =	vmul.u32 $0x30, v62  }
0x99: {  	v3 =	vand.u32 $0x7, v3  }
0x9a: {  	v3 =	vor.u32 v3, v4  }
0x9b: {  	v4 =	vperm.xlane v3, v0;
	_ =	sdelay $0x1  }
0x9c: {  	v4 =	vadd.s32 v1, v4;
	_ =	sdelay $0x3  }
0x9d: {  	v3 =	vperm.xlane v3, v2  }
0x9e: {  	[hbm4b:s3+s2] =	stream.indirect_vreg.scatter [tilespmem:s19], [sflag:$0x1], $0x80, v4, vm0, $0xb8;
	[tilespmem:$0xC100] =	vst v63  }
0x9f: {  	v3 =	vadd.s32 v1, v3  }
0xa0: {  	[hbm4b:s4+s2] =	stream.indirect_vreg.scatter [tilespmem:s20], [sflag:$0x1], $0x80, v4, vm0, $0xb8;
	[tilespmem:$0xC100] =	vst v63  }
0xa1: {  	_ = 	snop  }
0xa2: {  	[hbm4b:s5+s2] =	stream.indirect_vreg.scatter [tilespmem:s21], [sflag:$0x1], $0x80, v4, vm0, $0xb8;
	[tilespmem:$0xC100] =	vst v63  }
0xa3: {  	_ = 	snop  }
0xa4: {  	[hbm4b:s3+s2] =	stream.indirect_vreg.scatter [tilespmem:s22], [sflag:$0x1], $0x80, v3, vm0, $0xb8;
	[tilespmem:$0xC100] =	vst v63  }
0xa5: {  	_ = 	snop  }
0xa6: {  	[hbm4b:s4+s2] =	stream.indirect_vreg.scatter [tilespmem:s23], [sflag:$0x1], $0x80, v3, vm0, $0xb8;
	[tilespmem:$0xC100] =	vst v63  }
0xa7: {  	_ = 	snop  }
0xa8: {  	[hbm4b:s5+s2] =	stream.indirect_vreg.scatter [tilespmem:s24], [sflag:$0x1], $0x80, v3, vm0, $0xb8;
	[tilespmem:$0xC100] =	vst v63  }
0xa9: {  	v3 =	vld [tilespmem:$0xC0B0];
	_ =	sdelay $0x4  }
0xaa: {  	v63 =	vshrl.u32 v3, $0x3  }
0xab: {  	v4 =	vmul.u32 $0x30, v63  }
0xac: {  	v3 =	vand.u32 $0x7, v3  }
0xad: {  	v3 =	vor.u32 v3, v4  }
0xae: {  	v4 =	vperm.xlane v3, v0;
	_ =	sdelay $0x1  }
0xaf: {  	v4 =	vadd.s32 v1, v4;
	_ =	sdelay $0x3  }
0xb0: {  	v3 =	vperm.xlane v3, v2  }
0xb1: {  	[hbm4b:s3+s2] =	stream.indirect_vreg.scatter [tilespmem:s25], [sflag:$0x1], $0x80, v4, vm0, $0xb8;
	[tilespmem:$0xC100] =	vst v63  }
0xb2: {  	v3 =	vadd.s32 v1, v3  }
0xb3: {  	[hbm4b:s4+s2] =	stream.indirect_vreg.scatter [tilespmem:s26], [sflag:$0x1], $0x80, v4, vm0, $0xb8;
	[tilespmem:$0xC100] =	vst v63  }
0xb4: {  	_ = 	snop  }
0xb5: {  	[hbm4b:s5+s2] =	stream.indirect_vreg.scatter [tilespmem:s28], [sflag:$0x1], $0x80, v4, vm0, $0xb8;
	[tilespmem:$0xC100] =	vst v63  }
0xb6: {  	_ = 	snop  }
0xb7: {  	[hbm4b:s3+s2] =	stream.indirect_vreg.scatter [tilespmem:s29], [sflag:$0x1], $0x80, v3, vm0, $0xb8;
	[tilespmem:$0xC100] =	vst v63  }
0xb8: {  	p0 =	sne.s32 s6, $0x1  }
0xb9: {  	[hbm4b:s4+s2] =	stream.indirect_vreg.scatter [tilespmem:s30], [sflag:$0x1], $0x80, v3, vm0, $0xb8;
	[tilespmem:$0xC100] =	vst v63  }
.Ltmp0:
0xba: {  	_ = 	snop;
	(pc) =	sbr.rel @p0 .LBB2_1-.Ltmp0, $4  }
0xbb: {  	[hbm4b:s5+s2] =	stream.indirect_vreg.scatter [tilespmem:s31], [sflag:$0x1], $0x80, v3, vm0, $0xb8;
	[tilespmem:$0xC100] =	vst v63  }
0xbc: {  	_ =	swait.ge [sflag:s1], $0xC000  }
0xbd: {  	[sflag:s1] =	ssyncset.done $0x0  }
0xbe: {  	s6 =	sadd.s32 $0xFFFFFFFF, s6;
	[sflag:s1] =	ssyncadd.s32 $0xFFFF4000  }
0xbf: {  	_ =	sfence.sel $0x180000  }
0xc0: {  	[bflag:$0x0] =	sbarrier.arrive $0xFFFF  }
0xc1: {  	_ =	strace $0x90000047  }
0xc2: {  	s0 =	stileid.u32;
	[bflag:$0x2] =	sbarrier.arrive $0xFFFF  }
0xc3: {  	p0 =	sne.s32 s0, $0x0;
	s0 =	rddreg [dreg:$0x2]  }
0xc4: {  	s0 =	sadd.s32 @!p0 $0x100000, s0  }
0xc5: {  	[sflag:s0] =	ssyncadd.tile.s32 @!p0 $0x1;
	_ =	shalt  }
.Lfunc_end2:
_tile_overlayer_lowered:
.L_overlay_start_2:
0xc6: {  	(tag) =	ssettag $0x2  }
0xc7: {  	s0 =	rddreg [dreg:$0x0];
	s2 =	stileid.u32  }
0xc8: {  	s1 =	rddreg [dreg:$0x1];
	p0 =	sne.s32 s2, $0x0  }
0xc9: {  	s3 =	rddreg [dreg:$0x2];
	[bflag:$0x3] =	sbarrier.arrive $0xFFFF;
	s2 =	simm.s32 @!p0 $0x1C02  }
0xca: {  	[timem:s3], [sflag:s2] =	dma.local @!p0 [hbm:s0], s1  }
0xcb: {  	s0 =	simm.s32 @!p0 $0x2  }
0xcc: {  	_ =	swait.ge @!p0 [sflag:s0], s1  }
0xcd: {  	s1 =	ssub.s32 @!p0 $0x0, s1;
	[sflag:s0] =	ssyncset.done @!p0 $0x0  }
0xce: {  	[sflag:s0] =	ssyncadd.s32 @!p0 s1  }
0xcf: {  	[bflag:$0x3] =	sbarrier.arrive $0xFFFF  }
0xd0: {  	_ =	shalt  }

</sc_bundles>
